<compile_context>
chip_gen: v7x
topology: tpu7x:2x2x1
jax: 0.10.2.dev20260603
libtpu: 0.0.44.dev20260713+nightly
codegen_flags: <defaults>
</compile_context>

<pallas_src>
import functools
import math

import jax
import jax.numpy as jnp
import numpy as np
from jax import lax
from jax.experimental import pallas as pl
from jax.experimental.pallas import tpu as pltpu
from jax.experimental.pallas import tpu_sc as plsc

_HIDDEN = 768
_NC, _NS = 2, 16
_NW = _NC * _NS
_K = 1
_CH = 32
_NBUF = 4
_BR = 1024


def _pe_row(seq_len: int, hidden: int) -> np.ndarray:
    norm = np.exp(np.arange(0, hidden, 2, dtype=np.float64)
                  * (-(math.log(10000.0) / hidden)))
    row = np.zeros((hidden,), dtype=np.float64)
    row[0::2] = np.sin(seq_len * norm)
    row[1::2] = np.cos(seq_len * norm)
    return row.astype(np.float32)


def _sc_gather_chunk(table, ids, c, n_all):
    l = ids.shape[1]
    n = n_all // _K
    b_per_w = n // _NW
    n_ch = b_per_w // _CH
    mesh = plsc.VectorSubcoreMesh(core_axis_name="c", subcore_axis_name="s")

    @functools.partial(
        pl.kernel,
        mesh=mesh,
        out_type=jax.ShapeDtypeStruct((n, _HIDDEN), jnp.float32),
        scratch_types=(
            [pltpu.VMEM((b_per_w,), jnp.int32)]
            + [pltpu.VMEM((_CH, _HIDDEN), jnp.float32)] * _NBUF
            + [pltpu.SemaphoreType.DMA] * (2 * _NBUF)
        ),
    )
    def k(table_hbm, ids_hbm, out_hbm, idx_v, *rest):
        bufs = rest[:_NBUF]
        gsems = rest[_NBUF:2 * _NBUF]
        wsems = rest[2 * _NBUF:]
        wid = lax.axis_index("s") * _NC + lax.axis_index("c")
        base = wid * b_per_w
        flat = c * n + base
        pltpu.sync_copy(ids_hbm.at[flat // l, pl.ds(flat % l, b_per_w)], idx_v)

        def gath(i):
            return pltpu.async_copy(
                table_hbm.at[idx_v.at[pl.ds(i * _CH, _CH)]],
                bufs[i % _NBUF], gsems[i % _NBUF])

        gcp = [gath(i) for i in range(min(_NBUF, n_ch))]
        wcp = []
        for i in range(n_ch):
            gcp[i].wait()
            wcp.append(pltpu.async_copy(
                bufs[i % _NBUF], out_hbm.at[pl.ds(base + i * _CH, _CH)],
                wsems[i % _NBUF]))
            j = i - 1
            if j >= 0 and j + _NBUF < n_ch:
                wcp[j].wait()
                gcp.append(gath(j + _NBUF))
        for i in range(max(0, n_ch - _NBUF), n_ch):
            wcp[i].wait()

    return k(table, ids)


def _tc_ln_chunk(rows, seq_col, bias0, dbias, gamma, beta, c, out_prev,
                 out_shape3):
    nc = rows.shape[0]
    grid = (nc // _BR,)
    base = c * (nc // _BR)

    def body(rows_ref, seq_ref, b0_ref, db_ref, g_ref, be_ref, *rest):
        out_ref = rest[-1]
        x = rows_ref[...]
        s = seq_ref[...].astype(jnp.float32)
        x = x + b0_ref[...] + s * db_ref[...]
        mean = jnp.mean(x, axis=-1, keepdims=True)
        xc = x - mean
        var = jnp.mean(xc * xc, axis=-1, keepdims=True)
        rstd = lax.rsqrt(var + 1e-12)
        out_ref[...] = (g_ref[...] * (xc * rstd) + be_ref[...]).reshape(
            out_ref.shape)

    in_specs = [
        pl.BlockSpec((_BR, _HIDDEN), lambda i: (i, 0)),
        pl.BlockSpec((_BR, 1), lambda i: (base + i, 0)),
        pl.BlockSpec((1, _HIDDEN), lambda i: (0, 0)),
        pl.BlockSpec((1, _HIDDEN), lambda i: (0, 0)),
        pl.BlockSpec((1, _HIDDEN), lambda i: (0, 0)),
        pl.BlockSpec((1, _HIDDEN), lambda i: (0, 0)),
    ]
    args = [rows, seq_col, bias0, dbias, gamma, beta]
    aliases = {}
    if out_prev is not None:
        in_specs.append(pl.BlockSpec(memory_space=pl.ANY))
        args.append(out_prev)
        aliases = {6: 0}
    b, l = out_shape3[0], out_shape3[1]
    blk_per_row = l // _BR
    return pl.pallas_call(
        body,
        grid=grid,
        in_specs=in_specs,
        out_specs=pl.BlockSpec(
            (1, _BR, _HIDDEN),
            lambda i: ((base + i) // blk_per_row, (base + i) % blk_per_row, 0)),
        out_shape=jax.ShapeDtypeStruct(out_shape3, jnp.float32),
        input_output_aliases=aliases,
    )(*args)


def kernel(inputIDs, sequenceIDs, word_table, seq_table, gamma, beta):
    b, l = inputIDs.shape
    n = b * l
    ids = inputIDs.astype(jnp.int32)
    seq_col = sequenceIDs.reshape(n, 1).astype(jnp.int32)

    pe = jnp.asarray(_pe_row(l, _HIDDEN))
    bias0 = (seq_table[0] + pe).reshape(1, _HIDDEN)
    dbias = (seq_table[1] - seq_table[0]).reshape(1, _HIDDEN)
    gamma2 = gamma.reshape(1, _HIDDEN)
    beta2 = beta.reshape(1, _HIDDEN)

    gathered = [_sc_gather_chunk(word_table, ids, c, n) for c in range(_K)]
    out = None
    for c in range(_K):
        out = _tc_ln_chunk(gathered[c], seq_col, bias0, dbias,
                           gamma2, beta2, c, out, (b, l, _HIDDEN))
    return out

# --- scband reference (transcript-rebuilt; emitter-appended) ---
"""Pipeline reference for scband-bertembeddings-86285892977209 (READ-ONLY COPY).

The authoritative reference and input builder live on the scoring server;
editing this copy changes nothing except your own understanding.
"""

import jax, jax.numpy as jnp
import numpy as np
import math

VOCAB = 100000
HIDDEN = 768
MAXLEN = 4096


def setup_inputs(seed: int = 0) -> dict:
    key = jax.random.key(seed)
    k1, k2, k3, k4 = jax.random.split(key, 4)
    inputIDs = jax.random.randint(k1, (4, 2048), 0, VOCAB, dtype=jnp.int64 if jax.config.jax_enable_x64 else jnp.int32)
    sequenceIDs = jax.random.randint(k2, (4, 2048), 0, 2, dtype=jnp.int64 if jax.config.jax_enable_x64 else jnp.int32)
    word_table = jax.random.normal(k3, (VOCAB, HIDDEN), dtype=jnp.float32) * 0.02
    word_table = word_table.at[0].set(0.0)  # padding_idx=0
    seq_table = jax.random.normal(k4, (2, HIDDEN), dtype=jnp.float32) * 0.02
    gamma = jnp.ones((HIDDEN,), dtype=jnp.float32)
    beta = jnp.zeros((HIDDEN,), dtype=jnp.float32)
    return {"inputIDs": inputIDs, "sequenceIDs": sequenceIDs, "word_table": word_table, "seq_table": seq_table, "gamma": gamma, "beta": beta}


def _layer_norm(x, gamma, beta, eps=1e-12):
    mean = jnp.mean(x, axis=-1, keepdims=True)
    var = jnp.mean((x - mean) ** 2, axis=-1, keepdims=True)
    return gamma * (x - mean) / jnp.sqrt(var + eps) + beta


def _sinusoidal_pe(max_len, hidden):
    pos = jnp.arange(max_len, dtype=jnp.float32)[:, None]
    norm_term = jnp.exp(jnp.arange(0, hidden, 2, dtype=jnp.float32) * (-(math.log(10000.0) / hidden)))
    pe = jnp.zeros((max_len, hidden), dtype=jnp.float32)
    pe = pe.at[:, 0::2].set(jnp.sin(pos * norm_term))
    pe = pe.at[:, 1::2].set(jnp.cos(pos * norm_term))
    return pe[None, :, :]  # [1, max_len, hidden]


def reference(inputIDs, sequenceIDs, word_table, seq_table, gamma, beta):
    we = jnp.take(word_table, inputIDs, axis=0)      # [B, L, H] gather
    se = jnp.take(seq_table, sequenceIDs, axis=0)    # [B, L, H] gather
    pe = _sinusoidal_pe(MAXLEN, word_table.shape[1])
    # original module indexes pe at position L: pe[:, inputIDs.size(1)] -> [1, H]
    pe_sel = pe[:, inputIDs.shape[1]]                # [1, H], broadcast over B, L
    embeddings = _layer_norm(we + pe_sel + se, gamma, beta)
    return embeddings  # dropout is identity in eval mode

if __name__ == "__main__":
    import jax
    _d = setup_inputs()
    print(jax.jit(kernel)(*tuple(_d.values())))

</pallas_src>

<mosaic_0001>
#map = affine_map<(d0, d1) -> (0, 0)>
module attributes {stable_mosaic.version = 14 : i64} {
  func.func @k(%arg0: i32, %arg1: i32, %arg2: memref<100000x768xf32, #tpu.memory_space<hbm>>, %arg3: memref<4x2048xi32, #tpu.memory_space<hbm>>, %arg4: memref<8192x768xf32, #tpu.memory_space<hbm>>, %arg5: memref<256xi32, #tpu.memory_space<vmem>>, %arg6: memref<32x768xf32, #tpu.memory_space<vmem>>, %arg7: memref<32x768xf32, #tpu.memory_space<vmem>>, %arg8: memref<32x768xf32, #tpu.memory_space<vmem>>, %arg9: memref<32x768xf32, #tpu.memory_space<vmem>>, %arg10: memref<!tpu.dma_semaphore, #tpu.memory_space<semaphore_mem>>, %arg11: memref<!tpu.dma_semaphore, #tpu.memory_space<semaphore_mem>>, %arg12: memref<!tpu.dma_semaphore, #tpu.memory_space<semaphore_mem>>, %arg13: memref<!tpu.dma_semaphore, #tpu.memory_space<semaphore_mem>>, %arg14: memref<!tpu.dma_semaphore, #tpu.memory_space<semaphore_mem>>, %arg15: memref<!tpu.dma_semaphore, #tpu.memory_space<semaphore_mem>>, %arg16: memref<!tpu.dma_semaphore, #tpu.memory_space<semaphore_mem>>, %arg17: memref<!tpu.dma_semaphore, #tpu.memory_space<semaphore_mem>>) attributes {dimension_semantics = [#tpu.dimension_semantics<core_parallel>, #tpu.dimension_semantics<subcore_parallel>], iteration_bounds = array<i64: 2, 16>, scalar_prefetch = 0 : i64, scratch_operands = 13 : i64, tpu.core_type = #tpu.core_type<sc_vector_subcore>, window_params = [{transform_indices = #map}, {transform_indices = #map}, {transform_indices = #map}]} {
    %mul3A = arith.constant 2 : i32
    %mul3A_0 = arith.muli %arg1, %mul3A : i32
    %add3A = arith.addi %mul3A_0, %arg0 : i32
    %mul3A_1 = arith.constant 256 : i32
    %mul3A_2 = arith.muli %add3A, %mul3A_1 : i32
    %add3A_3 = arith.constant 0 : i32
    %add3A_4 = arith.addi %add3A_3, %mul3A_2 : i32
    %jit3A = arith.constant 2048 : i32
    %div3A = arith.divsi %add3A_4, %jit3A : i32
    %sign3A = arith.constant 0 : i32
    %sign3A_5 = arith.cmpi sgt, %add3A_4, %sign3A : i32
    %sign3A_6 = arith.extui %sign3A_5 : i1 to i32
    %sign3A_7 = arith.constant 0 : i32
    %sign3A_8 = arith.cmpi slt, %add3A_4, %sign3A_7 : i32
    %sign3A_9 = arith.extui %sign3A_8 : i1 to i32
    %sign3A_10 = arith.subi %sign3A_6, %sign3A_9 : i32
    %sign3A_11 = arith.constant 0 : i32
    %sign3A_12 = arith.cmpi sgt, %jit3A, %sign3A_11 : i32
    %sign3A_13 = arith.extui %sign3A_12 : i1 to i32
    %sign3A_14 = arith.constant 0 : i32
    %sign3A_15 = arith.cmpi slt, %jit3A, %sign3A_14 : i32
    %sign3A_16 = arith.extui %sign3A_15 : i1 to i32
    %sign3A_17 = arith.subi %sign3A_13, %sign3A_16 : i32
    %ne3A = arith.cmpi ne, %sign3A_10, %sign3A_17 : i32
    %rem3A = arith.remsi %add3A_4, %jit3A : i32
    %ne3A_18 = arith.constant 0 : i32
    %ne3A_19 = arith.cmpi ne, %rem3A, %ne3A_18 : i32
    %and3A = arith.andi %ne3A, %ne3A_19 : i1
    %sub3A = arith.constant 1 : i32
    %sub3A_20 = arith.subi %div3A, %sub3A : i32
    %select_n3A = arith.select %and3A, %sub3A_20, %div3A : i32
    %jit3A_21 = arith.constant 2048 : i32
    %eq3A = arith.constant 0 : i32
    %eq3A_22 = arith.cmpi eq, %jit3A_21, %eq3A : i32
    %jit3A_23 = arith.constant 1 : i32
    %select_n3A_24 = arith.select %eq3A_22, %jit3A_23, %jit3A_21 : i32
    %rem3A_25 = arith.remsi %add3A_4, %select_n3A_24 : i32
    %ne3A_26 = arith.constant 0 : i32
    %ne3A_27 = arith.cmpi ne, %rem3A_25, %ne3A_26 : i32
    %lt3A = arith.constant 0 : i32
    %lt3A_28 = arith.cmpi slt, %rem3A_25, %lt3A : i32
    %lt3A_29 = arith.constant 0 : i32
    %lt3A_30 = arith.cmpi slt, %select_n3A_24, %lt3A_29 : i32
    %ne3A_31 = arith.xori %lt3A_28, %lt3A_30 : i1
    %and3A_32 = arith.andi %ne3A_31, %ne3A_27 : i1
    %add3A_33 = arith.addi %rem3A_25, %select_n3A_24 : i32
    %select_n3A_34 = arith.select %and3A_32, %add3A_33, %rem3A_25 : i32
    "tpu.region"() ({
      %run_scoped3A = tpu.sem_alloc : memref<!tpu.dma_semaphore, #tpu.memory_space<semaphore_mem>>
      %dma_start3A_193 = tpu.memref_slice %arg3[%select_n3A, %select_n3A_34] : memref<4x2048xi32, #tpu.memory_space<hbm>> -> memref<1x256xi32, #tpu.memory_space<hbm>>
      %dma_start3A_194 = tpu.memref_squeeze %dma_start3A_193 : memref<1x256xi32, #tpu.memory_space<hbm>> -> memref<256xi32, #tpu.memory_space<hbm>>
      %dma_start3A_195 = tpu.memref_slice %arg3[%select_n3A, %select_n3A_34] : memref<4x2048xi32, #tpu.memory_space<hbm>> -> memref<1x256xi32, #tpu.memory_space<hbm>>
      %dma_start3A_196 = tpu.memref_squeeze %dma_start3A_195 : memref<1x256xi32, #tpu.memory_space<hbm>> -> memref<256xi32, #tpu.memory_space<hbm>>
      tpu.enqueue_dma source(%dma_start3A_196 : memref<256xi32, #tpu.memory_space<hbm>>) target(%arg5 : memref<256xi32, #tpu.memory_space<vmem>>) target_semaphore(%run_scoped3A : memref<!tpu.dma_semaphore, #tpu.memory_space<semaphore_mem>>)
      %dma_wait3A_197 = tpu.memref_slice %arg3[%select_n3A, %select_n3A_34] : memref<4x2048xi32, #tpu.memory_space<hbm>> -> memref<1x256xi32, #tpu.memory_space<hbm>>
      %dma_wait3A_198 = tpu.memref_squeeze %dma_wait3A_197 : memref<1x256xi32, #tpu.memory_space<hbm>> -> memref<256xi32, #tpu.memory_space<hbm>>
      %dma_wait3A_199 = tpu.memref_slice %arg3[%select_n3A, %select_n3A_34] : memref<4x2048xi32, #tpu.memory_space<hbm>> -> memref<1x256xi32, #tpu.memory_space<hbm>>
      %dma_wait3A_200 = tpu.memref_squeeze %dma_wait3A_199 : memref<1x256xi32, #tpu.memory_space<hbm>> -> memref<256xi32, #tpu.memory_space<hbm>>
      tpu.wait_dma2 semaphore(%run_scoped3A : memref<!tpu.dma_semaphore, #tpu.memory_space<semaphore_mem>>) src(%dma_wait3A_200 : memref<256xi32, #tpu.memory_space<hbm>>) dst(%arg5 : memref<256xi32, #tpu.memory_space<vmem>>)
      tpu.yield
    }) : () -> ()
    %dma_start3A = arith.constant 0 : i32
    %dma_start3A_35 = tpu.memref_slice %arg5[%dma_start3A] : memref<256xi32, #tpu.memory_space<vmem>> -> memref<32xi32, #tpu.memory_space<vmem>>
    %dma_start3A_36 = arith.constant 0 : i32
    %dma_start3A_37 = arith.constant 0 : i32
    %dma_start3A_38 = tpu.memref_slice %arg2[%dma_start3A_36, %dma_start3A_37] : memref<100000x768xf32, #tpu.memory_space<hbm>> -> memref<100000x768xf32, #tpu.memory_space<hbm>>
    tpu.enqueue_indirect_dma source(%dma_start3A_38 : memref<100000x768xf32, #tpu.memory_space<hbm>>) target(%arg6 : memref<32x768xf32, #tpu.memory_space<vmem>>) offsets(%dma_start3A_35 : memref<32xi32, #tpu.memory_space<vmem>>) semaphore(%arg10 : memref<!tpu.dma_semaphore, #tpu.memory_space<semaphore_mem>>)
    %dma_start3A_39 = arith.constant 32 : i32
    %dma_start3A_40 = tpu.memref_slice %arg5[%dma_start3A_39] : memref<256xi32, #tpu.memory_space<vmem>> -> memref<32xi32, #tpu.memory_space<vmem>>
    %dma_start3A_41 = arith.constant 0 : i32
    %dma_start3A_42 = arith.constant 0 : i32
    %dma_start3A_43 = tpu.memref_slice %arg2[%dma_start3A_41, %dma_start3A_42] : memref<100000x768xf32, #tpu.memory_space<hbm>> -> memref<100000x768xf32, #tpu.memory_space<hbm>>
    tpu.enqueue_indirect_dma source(%dma_start3A_43 : memref<100000x768xf32, #tpu.memory_space<hbm>>) target(%arg7 : memref<32x768xf32, #tpu.memory_space<vmem>>) offsets(%dma_start3A_40 : memref<32xi32, #tpu.memory_space<vmem>>) semaphore(%arg11 : memref<!tpu.dma_semaphore, #tpu.memory_space<semaphore_mem>>)
    %dma_start3A_44 = arith.constant 64 : i32
    %dma_start3A_45 = tpu.memref_slice %arg5[%dma_start3A_44] : memref<256xi32, #tpu.memory_space<vmem>> -> memref<32xi32, #tpu.memory_space<vmem>>
    %dma_start3A_46 = arith.constant 0 : i32
    %dma_start3A_47 = arith.constant 0 : i32
    %dma_start3A_48 = tpu.memref_slice %arg2[%dma_start3A_46, %dma_start3A_47] : memref<100000x768xf32, #tpu.memory_space<hbm>> -> memref<100000x768xf32, #tpu.memory_space<hbm>>
    tpu.enqueue_indirect_dma source(%dma_start3A_48 : memref<100000x768xf32, #tpu.memory_space<hbm>>) target(%arg8 : memref<32x768xf32, #tpu.memory_space<vmem>>) offsets(%dma_start3A_45 : memref<32xi32, #tpu.memory_space<vmem>>) semaphore(%arg12 : memref<!tpu.dma_semaphore, #tpu.memory_space<semaphore_mem>>)
    %dma_start3A_49 = arith.constant 96 : i32
    %dma_start3A_50 = tpu.memref_slice %arg5[%dma_start3A_49] : memref<256xi32, #tpu.memory_space<vmem>> -> memref<32xi32, #tpu.memory_space<vmem>>
    %dma_start3A_51 = arith.constant 0 : i32
    %dma_start3A_52 = arith.constant 0 : i32
    %dma_start3A_53 = tpu.memref_slice %arg2[%dma_start3A_51, %dma_start3A_52] : memref<100000x768xf32, #tpu.memory_space<hbm>> -> memref<100000x768xf32, #tpu.memory_space<hbm>>
    tpu.enqueue_indirect_dma source(%dma_start3A_53 : memref<100000x768xf32, #tpu.memory_space<hbm>>) target(%arg9 : memref<32x768xf32, #tpu.memory_space<vmem>>) offsets(%dma_start3A_50 : memref<32xi32, #tpu.memory_space<vmem>>) semaphore(%arg13 : memref<!tpu.dma_semaphore, #tpu.memory_space<semaphore_mem>>)
    %dma_wait3A = arith.constant 0 : i32
    %dma_wait3A_54 = tpu.memref_slice %arg5[%dma_wait3A] : memref<256xi32, #tpu.memory_space<vmem>> -> memref<32xi32, #tpu.memory_space<vmem>>
    %dma_wait3A_55 = arith.constant 0 : i32
    %dma_wait3A_56 = arith.constant 0 : i32
    %dma_wait3A_57 = tpu.memref_slice %arg2[%dma_wait3A_55, %dma_wait3A_56] : memref<100000x768xf32, #tpu.memory_space<hbm>> -> memref<100000x768xf32, #tpu.memory_space<hbm>>
    tpu.wait_indirect_dma semaphore(%arg10 : memref<!tpu.dma_semaphore, #tpu.memory_space<semaphore_mem>>) src(%dma_wait3A_57 : memref<100000x768xf32, #tpu.memory_space<hbm>>) dst(%arg6 : memref<32x768xf32, #tpu.memory_space<vmem>>)
    %add3A_58 = arith.constant 0 : i32
    %add3A_59 = arith.addi %mul3A_2, %add3A_58 : i32
    %dma_start3A_60 = arith.constant 0 : i32
    %dma_start3A_61 = tpu.memref_slice %arg4[%add3A_59, %dma_start3A_60] : memref<8192x768xf32, #tpu.memory_space<hbm>> -> memref<32x768xf32, #tpu.memory_space<hbm>>
    %dma_start3A_62 = arith.constant 0 : i32
    %dma_start3A_63 = tpu.memref_slice %arg4[%add3A_59, %dma_start3A_62] : memref<8192x768xf32, #tpu.memory_space<hbm>> -> memref<32x768xf32, #tpu.memory_space<hbm>>
    tpu.enqueue_dma source(%arg6 : memref<32x768xf32, #tpu.memory_space<vmem>>) target(%dma_start3A_63 : memref<32x768xf32, #tpu.memory_space<hbm>>) target_semaphore(%arg14 : memref<!tpu.dma_semaphore, #tpu.memory_space<semaphore_mem>>)
    %dma_wait3A_64 = arith.constant 32 : i32
    %dma_wait3A_65 = tpu.memref_slice %arg5[%dma_wait3A_64] : memref<256xi32, #tpu.memory_space<vmem>> -> memref<32xi32, #tpu.memory_space<vmem>>
    %dma_wait3A_66 = arith.constant 0 : i32
    %dma_wait3A_67 = arith.constant 0 : i32
    %dma_wait3A_68 = tpu.memref_slice %arg2[%dma_wait3A_66, %dma_wait3A_67] : memref<100000x768xf32, #tpu.memory_space<hbm>> -> memref<100000x768xf32, #tpu.memory_space<hbm>>
    tpu.wait_indirect_dma semaphore(%arg11 : memref<!tpu.dma_semaphore, #tpu.memory_space<semaphore_mem>>) src(%dma_wait3A_68 : memref<100000x768xf32, #tpu.memory_space<hbm>>) dst(%arg7 : memref<32x768xf32, #tpu.memory_space<vmem>>)
    %add3A_69 = arith.constant 32 : i32
    %add3A_70 = arith.addi %mul3A_2, %add3A_69 : i32
    %dma_start3A_71 = arith.constant 0 : i32
    %dma_start3A_72 = tpu.memref_slice %arg4[%add3A_70, %dma_start3A_71] : memref<8192x768xf32, #tpu.memory_space<hbm>> -> memref<32x768xf32, #tpu.memory_space<hbm>>
    %dma_start3A_73 = arith.constant 0 : i32
    %dma_start3A_74 = tpu.memref_slice %arg4[%add3A_70, %dma_start3A_73] : memref<8192x768xf32, #tpu.memory_space<hbm>> -> memref<32x768xf32, #tpu.memory_space<hbm>>
    tpu.enqueue_dma source(%arg7 : memref<32x768xf32, #tpu.memory_space<vmem>>) target(%dma_start3A_74 : memref<32x768xf32, #tpu.memory_space<hbm>>) target_semaphore(%arg15 : memref<!tpu.dma_semaphore, #tpu.memory_space<semaphore_mem>>)
    %dma_wait3A_75 = arith.constant 0 : i32
    %dma_wait3A_76 = tpu.memref_slice %arg4[%add3A_59, %dma_wait3A_75] : memref<8192x768xf32, #tpu.memory_space<hbm>> -> memref<32x768xf32, #tpu.memory_space<hbm>>
    %dma_wait3A_77 = arith.constant 0 : i32
    %dma_wait3A_78 = tpu.memref_slice %arg4[%add3A_59, %dma_wait3A_77] : memref<8192x768xf32, #tpu.memory_space<hbm>> -> memref<32x768xf32, #tpu.memory_space<hbm>>
    tpu.wait_dma2 semaphore(%arg14 : memref<!tpu.dma_semaphore, #tpu.memory_space<semaphore_mem>>) src(%arg6 : memref<32x768xf32, #tpu.memory_space<vmem>>) dst(%dma_wait3A_78 : memref<32x768xf32, #tpu.memory_space<hbm>>)
    %dma_start3A_79 = arith.constant 128 : i32
    %dma_start3A_80 = tpu.memref_slice %arg5[%dma_start3A_79] : memref<256xi32, #tpu.memory_space<vmem>> -> memref<32xi32, #tpu.memory_space<vmem>>
    %dma_start3A_81 = arith.constant 0 : i32
    %dma_start3A_82 = arith.constant 0 : i32
    %dma_start3A_83 = tpu.memref_slice %arg2[%dma_start3A_81, %dma_start3A_82] : memref<100000x768xf32, #tpu.memory_space<hbm>> -> memref<100000x768xf32, #tpu.memory_space<hbm>>
    tpu.enqueue_indirect_dma source(%dma_start3A_83 : memref<100000x768xf32, #tpu.memory_space<hbm>>) target(%arg6 : memref<32x768xf32, #tpu.memory_space<vmem>>) offsets(%dma_start3A_80 : memref<32xi32, #tpu.memory_space<vmem>>) semaphore(%arg10 : memref<!tpu.dma_semaphore, #tpu.memory_space<semaphore_mem>>)
    %dma_wait3A_84 = arith.constant 64 : i32
    %dma_wait3A_85 = tpu.memref_slice %arg5[%dma_wait3A_84] : memref<256xi32, #tpu.memory_space<vmem>> -> memref<32xi32, #tpu.memory_space<vmem>>
    %dma_wait3A_86 = arith.constant 0 : i32
    %dma_wait3A_87 = arith.constant 0 : i32
    %dma_wait3A_88 = tpu.memref_slice %arg2[%dma_wait3A_86, %dma_wait3A_87] : memref<100000x768xf32, #tpu.memory_space<hbm>> -> memref<100000x768xf32, #tpu.memory_space<hbm>>
    tpu.wait_indirect_dma semaphore(%arg12 : memref<!tpu.dma_semaphore, #tpu.memory_space<semaphore_mem>>) src(%dma_wait3A_88 : memref<100000x768xf32, #tpu.memory_space<hbm>>) dst(%arg8 : memref<32x768xf32, #tpu.memory_space<vmem>>)
    %add3A_89 = arith.constant 64 : i32
    %add3A_90 = arith.addi %mul3A_2, %add3A_89 : i32
    %dma_start3A_91 = arith.constant 0 : i32
    %dma_start3A_92 = tpu.memref_slice %arg4[%add3A_90, %dma_start3A_91] : memref<8192x768xf32, #tpu.memory_space<hbm>> -> memref<32x768xf32, #tpu.memory_space<hbm>>
    %dma_start3A_93 = arith.constant 0 : i32
    %dma_start3A_94 = tpu.memref_slice %arg4[%add3A_90, %dma_start3A_93] : memref<8192x768xf32, #tpu.memory_space<hbm>> -> memref<32x768xf32, #tpu.memory_space<hbm>>
    tpu.enqueue_dma source(%arg8 : memref<32x768xf32, #tpu.memory_space<vmem>>) target(%dma_start3A_94 : memref<32x768xf32, #tpu.memory_space<hbm>>) target_semaphore(%arg16 : memref<!tpu.dma_semaphore, #tpu.memory_space<semaphore_mem>>)
    %dma_wait3A_95 = arith.constant 0 : i32
    %dma_wait3A_96 = tpu.memref_slice %arg4[%add3A_70, %dma_wait3A_95] : memref<8192x768xf32, #tpu.memory_space<hbm>> -> memref<32x768xf32, #tpu.memory_space<hbm>>
    %dma_wait3A_97 = arith.constant 0 : i32
    %dma_wait3A_98 = tpu.memref_slice %arg4[%add3A_70, %dma_wait3A_97] : memref<8192x768xf32, #tpu.memory_space<hbm>> -> memref<32x768xf32, #tpu.memory_space<hbm>>
    tpu.wait_dma2 semaphore(%arg15 : memref<!tpu.dma_semaphore, #tpu.memory_space<semaphore_mem>>) src(%arg7 : memref<32x768xf32, #tpu.memory_space<vmem>>) dst(%dma_wait3A_98 : memref<32x768xf32, #tpu.memory_space<hbm>>)
    %dma_start3A_99 = arith.constant 160 : i32
    %dma_start3A_100 = tpu.memref_slice %arg5[%dma_start3A_99] : memref<256xi32, #tpu.memory_space<vmem>> -> memref<32xi32, #tpu.memory_space<vmem>>
    %dma_start3A_101 = arith.constant 0 : i32
    %dma_start3A_102 = arith.constant 0 : i32
    %dma_start3A_103 = tpu.memref_slice %arg2[%dma_start3A_101, %dma_start3A_102] : memref<100000x768xf32, #tpu.memory_space<hbm>> -> memref<100000x768xf32, #tpu.memory_space<hbm>>
    tpu.enqueue_indirect_dma source(%dma_start3A_103 : memref<100000x768xf32, #tpu.memory_space<hbm>>) target(%arg7 : memref<32x768xf32, #tpu.memory_space<vmem>>) offsets(%dma_start3A_100 : memref<32xi32, #tpu.memory_space<vmem>>) semaphore(%arg11 : memref<!tpu.dma_semaphore, #tpu.memory_space<semaphore_mem>>)
    %dma_wait3A_104 = arith.constant 96 : i32
    %dma_wait3A_105 = tpu.memref_slice %arg5[%dma_wait3A_104] : memref<256xi32, #tpu.memory_space<vmem>> -> memref<32xi32, #tpu.memory_space<vmem>>
    %dma_wait3A_106 = arith.constant 0 : i32
    %dma_wait3A_107 = arith.constant 0 : i32
    %dma_wait3A_108 = tpu.memref_slice %arg2[%dma_wait3A_106, %dma_wait3A_107] : memref<100000x768xf32, #tpu.memory_space<hbm>> -> memref<100000x768xf32, #tpu.memory_space<hbm>>
    tpu.wait_indirect_dma semaphore(%arg13 : memref<!tpu.dma_semaphore, #tpu.memory_space<semaphore_mem>>) src(%dma_wait3A_108 : memref<100000x768xf32, #tpu.memory_space<hbm>>) dst(%arg9 : memref<32x768xf32, #tpu.memory_space<vmem>>)
    %add3A_109 = arith.constant 96 : i32
    %add3A_110 = arith.addi %mul3A_2, %add3A_109 : i32
    %dma_start3A_111 = arith.constant 0 : i32
    %dma_start3A_112 = tpu.memref_slice %arg4[%add3A_110, %dma_start3A_111] : memref<8192x768xf32, #tpu.memory_space<hbm>> -> memref<32x768xf32, #tpu.memory_space<hbm>>
    %dma_start3A_113 = arith.constant 0 : i32
    %dma_start3A_114 = tpu.memref_slice %arg4[%add3A_110, %dma_start3A_113] : memref<8192x768xf32, #tpu.memory_space<hbm>> -> memref<32x768xf32, #tpu.memory_space<hbm>>
    tpu.enqueue_dma source(%arg9 : memref<32x768xf32, #tpu.memory_space<vmem>>) target(%dma_start3A_114 : memref<32x768xf32, #tpu.memory_space<hbm>>) target_semaphore(%arg17 : memref<!tpu.dma_semaphore, #tpu.memory_space<semaphore_mem>>)
    %dma_wait3A_115 = arith.constant 0 : i32
    %dma_wait3A_116 = tpu.memref_slice %arg4[%add3A_90, %dma_wait3A_115] : memref<8192x768xf32, #tpu.memory_space<hbm>> -> memref<32x768xf32, #tpu.memory_space<hbm>>
    %dma_wait3A_117 = arith.constant 0 : i32
    %dma_wait3A_118 = tpu.memref_slice %arg4[%add3A_90, %dma_wait3A_117] : memref<8192x768xf32, #tpu.memory_space<hbm>> -> memref<32x768xf32, #tpu.memory_space<hbm>>
    tpu.wait_dma2 semaphore(%arg16 : memref<!tpu.dma_semaphore, #tpu.memory_space<semaphore_mem>>) src(%arg8 : memref<32x768xf32, #tpu.memory_space<vmem>>) dst(%dma_wait3A_118 : memref<32x768xf32, #tpu.memory_space<hbm>>)
    %dma_start3A_119 = arith.constant 192 : i32
    %dma_start3A_120 = tpu.memref_slice %arg5[%dma_start3A_119] : memref<256xi32, #tpu.memory_space<vmem>> -> memref<32xi32, #tpu.memory_space<vmem>>
    %dma_start3A_121 = arith.constant 0 : i32
    %dma_start3A_122 = arith.constant 0 : i32
    %dma_start3A_123 = tpu.memref_slice %arg2[%dma_start3A_121, %dma_start3A_122] : memref<100000x768xf32, #tpu.memory_space<hbm>> -> memref<100000x768xf32, #tpu.memory_space<hbm>>
    tpu.enqueue_indirect_dma source(%dma_start3A_123 : memref<100000x768xf32, #tpu.memory_space<hbm>>) target(%arg8 : memref<32x768xf32, #tpu.memory_space<vmem>>) offsets(%dma_start3A_120 : memref<32xi32, #tpu.memory_space<vmem>>) semaphore(%arg12 : memref<!tpu.dma_semaphore, #tpu.memory_space<semaphore_mem>>)
    %dma_wait3A_124 = arith.constant 128 : i32
    %dma_wait3A_125 = tpu.memref_slice %arg5[%dma_wait3A_124] : memref<256xi32, #tpu.memory_space<vmem>> -> memref<32xi32, #tpu.memory_space<vmem>>
    %dma_wait3A_126 = arith.constant 0 : i32
    %dma_wait3A_127 = arith.constant 0 : i32
    %dma_wait3A_128 = tpu.memref_slice %arg2[%dma_wait3A_126, %dma_wait3A_127] : memref<100000x768xf32, #tpu.memory_space<hbm>> -> memref<100000x768xf32, #tpu.memory_space<hbm>>
    tpu.wait_indirect_dma semaphore(%arg10 : memref<!tpu.dma_semaphore, #tpu.memory_space<semaphore_mem>>) src(%dma_wait3A_128 : memref<100000x768xf32, #tpu.memory_space<hbm>>) dst(%arg6 : memref<32x768xf32, #tpu.memory_space<vmem>>)
    %add3A_129 = arith.constant 128 : i32
    %add3A_130 = arith.addi %mul3A_2, %add3A_129 : i32
    %dma_start3A_131 = arith.constant 0 : i32
    %dma_start3A_132 = tpu.memref_slice %arg4[%add3A_130, %dma_start3A_131] : memref<8192x768xf32, #tpu.memory_space<hbm>> -> memref<32x768xf32, #tpu.memory_space<hbm>>
    %dma_start3A_133 = arith.constant 0 : i32
    %dma_start3A_134 = tpu.memref_slice %arg4[%add3A_130, %dma_start3A_133] : memref<8192x768xf32, #tpu.memory_space<hbm>> -> memref<32x768xf32, #tpu.memory_space<hbm>>
    tpu.enqueue_dma source(%arg6 : memref<32x768xf32, #tpu.memory_space<vmem>>) target(%dma_start3A_134 : memref<32x768xf32, #tpu.memory_space<hbm>>) target_semaphore(%arg14 : memref<!tpu.dma_semaphore, #tpu.memory_space<semaphore_mem>>)
    %dma_wait3A_135 = arith.constant 0 : i32
    %dma_wait3A_136 = tpu.memref_slice %arg4[%add3A_110, %dma_wait3A_135] : memref<8192x768xf32, #tpu.memory_space<hbm>> -> memref<32x768xf32, #tpu.memory_space<hbm>>
    %dma_wait3A_137 = arith.constant 0 : i32
    %dma_wait3A_138 = tpu.memref_slice %arg4[%add3A_110, %dma_wait3A_137] : memref<8192x768xf32, #tpu.memory_space<hbm>> -> memref<32x768xf32, #tpu.memory_space<hbm>>
    tpu.wait_dma2 semaphore(%arg17 : memref<!tpu.dma_semaphore, #tpu.memory_space<semaphore_mem>>) src(%arg9 : memref<32x768xf32, #tpu.memory_space<vmem>>) dst(%dma_wait3A_138 : memref<32x768xf32, #tpu.memory_space<hbm>>)
    %dma_start3A_139 = arith.constant 224 : i32
    %dma_start3A_140 = tpu.memref_slice %arg5[%dma_start3A_139] : memref<256xi32, #tpu.memory_space<vmem>> -> memref<32xi32, #tpu.memory_space<vmem>>
    %dma_start3A_141 = arith.constant 0 : i32
    %dma_start3A_142 = arith.constant 0 : i32
    %dma_start3A_143 = tpu.memref_slice %arg2[%dma_start3A_141, %dma_start3A_142] : memref<100000x768xf32, #tpu.memory_space<hbm>> -> memref<100000x768xf32, #tpu.memory_space<hbm>>
    tpu.enqueue_indirect_dma source(%dma_start3A_143 : memref<100000x768xf32, #tpu.memory_space<hbm>>) target(%arg9 : memref<32x768xf32, #tpu.memory_space<vmem>>) offsets(%dma_start3A_140 : memref<32xi32, #tpu.memory_space<vmem>>) semaphore(%arg13 : memref<!tpu.dma_semaphore, #tpu.memory_space<semaphore_mem>>)
    %dma_wait3A_144 = arith.constant 160 : i32
    %dma_wait3A_145 = tpu.memref_slice %arg5[%dma_wait3A_144] : memref<256xi32, #tpu.memory_space<vmem>> -> memref<32xi32, #tpu.memory_space<vmem>>
    %dma_wait3A_146 = arith.constant 0 : i32
    %dma_wait3A_147 = arith.constant 0 : i32
    %dma_wait3A_148 = tpu.memref_slice %arg2[%dma_wait3A_146, %dma_wait3A_147] : memref<100000x768xf32, #tpu.memory_space<hbm>> -> memref<100000x768xf32, #tpu.memory_space<hbm>>
    tpu.wait_indirect_dma semaphore(%arg11 : memref<!tpu.dma_semaphore, #tpu.memory_space<semaphore_mem>>) src(%dma_wait3A_148 : memref<100000x768xf32, #tpu.memory_space<hbm>>) dst(%arg7 : memref<32x768xf32, #tpu.memory_space<vmem>>)
    %add3A_149 = arith.constant 160 : i32
    %add3A_150 = arith.addi %mul3A_2, %add3A_149 : i32
    %dma_start3A_151 = arith.constant 0 : i32
    %dma_start3A_152 = tpu.memref_slice %arg4[%add3A_150, %dma_start3A_151] : memref<8192x768xf32, #tpu.memory_space<hbm>> -> memref<32x768xf32, #tpu.memory_space<hbm>>
    %dma_start3A_153 = arith.constant 0 : i32
    %dma_start3A_154 = tpu.memref_slice %arg4[%add3A_150, %dma_start3A_153] : memref<8192x768xf32, #tpu.memory_space<hbm>> -> memref<32x768xf32, #tpu.memory_space<hbm>>
    tpu.enqueue_dma source(%arg7 : memref<32x768xf32, #tpu.memory_space<vmem>>) target(%dma_start3A_154 : memref<32x768xf32, #tpu.memory_space<hbm>>) target_semaphore(%arg15 : memref<!tpu.dma_semaphore, #tpu.memory_space<semaphore_mem>>)
    %dma_wait3A_155 = arith.constant 192 : i32
    %dma_wait3A_156 = tpu.memref_slice %arg5[%dma_wait3A_155] : memref<256xi32, #tpu.memory_space<vmem>> -> memref<32xi32, #tpu.memory_space<vmem>>
    %dma_wait3A_157 = arith.constant 0 : i32
    %dma_wait3A_158 = arith.constant 0 : i32
    %dma_wait3A_159 = tpu.memref_slice %arg2[%dma_wait3A_157, %dma_wait3A_158] : memref<100000x768xf32, #tpu.memory_space<hbm>> -> memref<100000x768xf32, #tpu.memory_space<hbm>>
    tpu.wait_indirect_dma semaphore(%arg12 : memref<!tpu.dma_semaphore, #tpu.memory_space<semaphore_mem>>) src(%dma_wait3A_159 : memref<100000x768xf32, #tpu.memory_space<hbm>>) dst(%arg8 : memref<32x768xf32, #tpu.memory_space<vmem>>)
    %add3A_160 = arith.constant 192 : i32
    %add3A_161 = arith.addi %mul3A_2, %add3A_160 : i32
    %dma_start3A_162 = arith.constant 0 : i32
    %dma_start3A_163 = tpu.memref_slice %arg4[%add3A_161, %dma_start3A_162] : memref<8192x768xf32, #tpu.memory_space<hbm>> -> memref<32x768xf32, #tpu.memory_space<hbm>>
    %dma_start3A_164 = arith.constant 0 : i32
    %dma_start3A_165 = tpu.memref_slice %arg4[%add3A_161, %dma_start3A_164] : memref<8192x768xf32, #tpu.memory_space<hbm>> -> memref<32x768xf32, #tpu.memory_space<hbm>>
    tpu.enqueue_dma source(%arg8 : memref<32x768xf32, #tpu.memory_space<vmem>>) target(%dma_start3A_165 : memref<32x768xf32, #tpu.memory_space<hbm>>) target_semaphore(%arg16 : memref<!tpu.dma_semaphore, #tpu.memory_space<semaphore_mem>>)
    %dma_wait3A_166 = arith.constant 224 : i32
    %dma_wait3A_167 = tpu.memref_slice %arg5[%dma_wait3A_166] : memref<256xi32, #tpu.memory_space<vmem>> -> memref<32xi32, #tpu.memory_space<vmem>>
    %dma_wait3A_168 = arith.constant 0 : i32
    %dma_wait3A_169 = arith.constant 0 : i32
    %dma_wait3A_170 = tpu.memref_slice %arg2[%dma_wait3A_168, %dma_wait3A_169] : memref<100000x768xf32, #tpu.memory_space<hbm>> -> memref<100000x768xf32, #tpu.memory_space<hbm>>
    tpu.wait_indirect_dma semaphore(%arg13 : memref<!tpu.dma_semaphore, #tpu.memory_space<semaphore_mem>>) src(%dma_wait3A_170 : memref<100000x768xf32, #tpu.memory_space<hbm>>) dst(%arg9 : memref<32x768xf32, #tpu.memory_space<vmem>>)
    %add3A_171 = arith.constant 224 : i32
    %add3A_172 = arith.addi %mul3A_2, %add3A_171 : i32
    %dma_start3A_173 = arith.constant 0 : i32
    %dma_start3A_174 = tpu.memref_slice %arg4[%add3A_172, %dma_start3A_173] : memref<8192x768xf32, #tpu.memory_space<hbm>> -> memref<32x768xf32, #tpu.memory_space<hbm>>
    %dma_start3A_175 = arith.constant 0 : i32
    %dma_start3A_176 = tpu.memref_slice %arg4[%add3A_172, %dma_start3A_175] : memref<8192x768xf32, #tpu.memory_space<hbm>> -> memref<32x768xf32, #tpu.memory_space<hbm>>
    tpu.enqueue_dma source(%arg9 : memref<32x768xf32, #tpu.memory_space<vmem>>) target(%dma_start3A_176 : memref<32x768xf32, #tpu.memory_space<hbm>>) target_semaphore(%arg17 : memref<!tpu.dma_semaphore, #tpu.memory_space<semaphore_mem>>)
    %dma_wait3A_177 = arith.constant 0 : i32
    %dma_wait3A_178 = tpu.memref_slice %arg4[%add3A_130, %dma_wait3A_177] : memref<8192x768xf32, #tpu.memory_space<hbm>> -> memref<32x768xf32, #tpu.memory_space<hbm>>
    %dma_wait3A_179 = arith.constant 0 : i32
    %dma_wait3A_180 = tpu.memref_slice %arg4[%add3A_130, %dma_wait3A_179] : memref<8192x768xf32, #tpu.memory_space<hbm>> -> memref<32x768xf32, #tpu.memory_space<hbm>>
    tpu.wait_dma2 semaphore(%arg14 : memref<!tpu.dma_semaphore, #tpu.memory_space<semaphore_mem>>) src(%arg6 : memref<32x768xf32, #tpu.memory_space<vmem>>) dst(%dma_wait3A_180 : memref<32x768xf32, #tpu.memory_space<hbm>>)
    %dma_wait3A_181 = arith.constant 0 : i32
    %dma_wait3A_182 = tpu.memref_slice %arg4[%add3A_150, %dma_wait3A_181] : memref<8192x768xf32, #tpu.memory_space<hbm>> -> memref<32x768xf32, #tpu.memory_space<hbm>>
    %dma_wait3A_183 = arith.constant 0 : i32
    %dma_wait3A_184 = tpu.memref_slice %arg4[%add3A_150, %dma_wait3A_183] : memref<8192x768xf32, #tpu.memory_space<hbm>> -> memref<32x768xf32, #tpu.memory_space<hbm>>
    tpu.wait_dma2 semaphore(%arg15 : memref<!tpu.dma_semaphore, #tpu.memory_space<semaphore_mem>>) src(%arg7 : memref<32x768xf32, #tpu.memory_space<vmem>>) dst(%dma_wait3A_184 : memref<32x768xf32, #tpu.memory_space<hbm>>)
    %dma_wait3A_185 = arith.constant 0 : i32
    %dma_wait3A_186 = tpu.memref_slice %arg4[%add3A_161, %dma_wait3A_185] : memref<8192x768xf32, #tpu.memory_space<hbm>> -> memref<32x768xf32, #tpu.memory_space<hbm>>
    %dma_wait3A_187 = arith.constant 0 : i32
    %dma_wait3A_188 = tpu.memref_slice %arg4[%add3A_161, %dma_wait3A_187] : memref<8192x768xf32, #tpu.memory_space<hbm>> -> memref<32x768xf32, #tpu.memory_space<hbm>>
    tpu.wait_dma2 semaphore(%arg16 : memref<!tpu.dma_semaphore, #tpu.memory_space<semaphore_mem>>) src(%arg8 : memref<32x768xf32, #tpu.memory_space<vmem>>) dst(%dma_wait3A_188 : memref<32x768xf32, #tpu.memory_space<hbm>>)
    %dma_wait3A_189 = arith.constant 0 : i32
    %dma_wait3A_190 = tpu.memref_slice %arg4[%add3A_172, %dma_wait3A_189] : memref<8192x768xf32, #tpu.memory_space<hbm>> -> memref<32x768xf32, #tpu.memory_space<hbm>>
    %dma_wait3A_191 = arith.constant 0 : i32
    %dma_wait3A_192 = tpu.memref_slice %arg4[%add3A_172, %dma_wait3A_191] : memref<8192x768xf32, #tpu.memory_space<hbm>> -> memref<32x768xf32, #tpu.memory_space<hbm>>
    tpu.wait_dma2 semaphore(%arg17 : memref<!tpu.dma_semaphore, #tpu.memory_space<semaphore_mem>>) src(%arg9 : memref<32x768xf32, #tpu.memory_space<vmem>>) dst(%dma_wait3A_192 : memref<32x768xf32, #tpu.memory_space<hbm>>)
    return
  }
}

module attributes {stable_mosaic.version = 14 : i64} {
  func.func @body(%arg0: i32, %arg1: memref<1024x768xf32, #tpu.memory_space<vmem>>, %arg2: memref<1024x1xi32, #tpu.memory_space<vmem>>, %arg3: memref<1x768xf32, #tpu.memory_space<vmem>>, %arg4: memref<1x768xf32, #tpu.memory_space<vmem>>, %arg5: memref<1x768xf32, #tpu.memory_space<vmem>>, %arg6: memref<1x768xf32, #tpu.memory_space<vmem>>, %arg7: memref<1x1024x768xf32, #tpu.memory_space<vmem>>) attributes {dimension_semantics = [#tpu.dimension_semantics<arbitrary>], iteration_bounds = array<i64: 8>, scalar_prefetch = 0 : i64, scratch_operands = 0 : i64, tpu.core_type = #tpu.core_type<tc>, window_params = [{transform_indices = @transform_0, window_bounds = array<i64: 1024, 768>}, {transform_indices = @transform_1, window_bounds = array<i64: 1024, 1>}, {pipeline_mode = #tpu.pipeline_mode<synchronous>, transform_indices = @transform_2, window_bounds = array<i64: 1, 768>}, {pipeline_mode = #tpu.pipeline_mode<synchronous>, transform_indices = @transform_3, window_bounds = array<i64: 1, 768>}, {pipeline_mode = #tpu.pipeline_mode<synchronous>, transform_indices = @transform_4, window_bounds = array<i64: 1, 768>}, {pipeline_mode = #tpu.pipeline_mode<synchronous>, transform_indices = @transform_5, window_bounds = array<i64: 1, 768>}, {transform_indices = @transform_6, window_bounds = array<i64: 1, 1024, 768>}]} {
    %get3A = arith.constant 0 : index
    %get3A_0 = arith.constant 0 : index
    %get3A_1 = vector.load %arg1[%get3A, %get3A_0] : memref<1024x768xf32, #tpu.memory_space<vmem>>, vector<1024x768xf32>
    %get3A_2 = arith.constant 0 : index
    %get3A_3 = arith.constant 0 : index
    %get3A_4 = vector.load %arg2[%get3A_2, %get3A_3] : memref<1024x1xi32, #tpu.memory_space<vmem>>, vector<1024x1xi32>
    %convert_element_type3A = arith.sitofp %get3A_4 : vector<1024x1xi32> to vector<1024x1xf32>
    %get3A_5 = arith.constant 0 : index
    %get3A_6 = arith.constant 0 : index
    %get3A_7 = vector.load %arg3[%get3A_5, %get3A_6] : memref<1x768xf32, #tpu.memory_space<vmem>>, vector<1x768xf32>
    %add3A = vector.broadcast %get3A_7 : vector<1x768xf32> to vector<1024x768xf32>
    %add3A_8 = arith.addf %get3A_1, %add3A : vector<1024x768xf32>
    %get3A_9 = arith.constant 0 : index
    %get3A_10 = arith.constant 0 : index
    %get3A_11 = vector.load %arg4[%get3A_9, %get3A_10] : memref<1x768xf32, #tpu.memory_space<vmem>>, vector<1x768xf32>
    %mul3A = vector.broadcast %convert_element_type3A : vector<1024x1xf32> to vector<1024x768xf32>
    %mul3A_12 = vector.broadcast %get3A_11 : vector<1x768xf32> to vector<1024x768xf32>
    %mul3A_13 = arith.mulf %mul3A, %mul3A_12 : vector<1024x768xf32>
    %add3A_14 = arith.addf %add3A_8, %mul3A_13 : vector<1024x768xf32>
    %reduce_sum3A = arith.constant dense<0.000000e+00> : vector<1024xf32>
    %reduce_sum3A_15 = vector.multi_reduction <add>, %add3A_14, %reduce_sum3A [1] : vector<1024x768xf32> to vector<1024xf32>
    %broadcast_in_dim3A = vector.shape_cast %reduce_sum3A_15 : vector<1024xf32> to vector<1024x1xf32>
    %div3A = arith.constant 7.680000e+02 : f32
    %div3A_16 = vector.broadcast %div3A : f32 to vector<1024x1xf32>
    %div3A_17 = arith.divf %broadcast_in_dim3A, %div3A_16 : vector<1024x1xf32>
    %sub3A = vector.broadcast %div3A_17 : vector<1024x1xf32> to vector<1024x768xf32>
    %sub3A_18 = arith.subf %add3A_14, %sub3A : vector<1024x768xf32>
    %mul3A_19 = arith.mulf %sub3A_18, %sub3A_18 : vector<1024x768xf32>
    %reduce_sum3A_20 = arith.constant dense<0.000000e+00> : vector<1024xf32>
    %reduce_sum3A_21 = vector.multi_reduction <add>, %mul3A_19, %reduce_sum3A_20 [1] : vector<1024x768xf32> to vector<1024xf32>
    %broadcast_in_dim3A_22 = vector.shape_cast %reduce_sum3A_21 : vector<1024xf32> to vector<1024x1xf32>
    %div3A_23 = arith.constant 7.680000e+02 : f32
    %div3A_24 = vector.broadcast %div3A_23 : f32 to vector<1024x1xf32>
    %div3A_25 = arith.divf %broadcast_in_dim3A_22, %div3A_24 : vector<1024x1xf32>
    %add3A_26 = arith.constant 9.99999996E-13 : f32
    %add3A_27 = vector.broadcast %add3A_26 : f32 to vector<1024x1xf32>
    %add3A_28 = arith.addf %div3A_25, %add3A_27 : vector<1024x1xf32>
    %rsqrt3A = math.rsqrt %add3A_28 : vector<1024x1xf32>
    %get3A_29 = arith.constant 0 : index
    %get3A_30 = arith.constant 0 : index
    %get3A_31 = vector.load %arg5[%get3A_29, %get3A_30] : memref<1x768xf32, #tpu.memory_space<vmem>>, vector<1x768xf32>
    %mul3A_32 = vector.broadcast %rsqrt3A : vector<1024x1xf32> to vector<1024x768xf32>
    %mul3A_33 = arith.mulf %sub3A_18, %mul3A_32 : vector<1024x768xf32>
    %mul3A_34 = vector.broadcast %get3A_31 : vector<1x768xf32> to vector<1024x768xf32>
    %mul3A_35 = arith.mulf %mul3A_34, %mul3A_33 : vector<1024x768xf32>
    %get3A_36 = arith.constant 0 : index
    %get3A_37 = arith.constant 0 : index
    %get3A_38 = vector.load %arg6[%get3A_36, %get3A_37] : memref<1x768xf32, #tpu.memory_space<vmem>>, vector<1x768xf32>
    %add3A_39 = vector.broadcast %get3A_38 : vector<1x768xf32> to vector<1024x768xf32>
    %add3A_40 = arith.addf %mul3A_35, %add3A_39 : vector<1024x768xf32>
    %reshape3A = vector.shape_cast %add3A_40 : vector<1024x768xf32> to vector<1x1024x768xf32>
    %swap3A = arith.constant 0 : index
    %swap3A_41 = arith.constant 0 : index
    %swap3A_42 = arith.constant 0 : index
    %swap3A_43 = vector.load %arg7[%swap3A, %swap3A_41, %swap3A_42] : memref<1x1024x768xf32, #tpu.memory_space<vmem>>, vector<1x1024x768xf32>
    tpu.vector_store %arg7[%swap3A, %swap3A_41, %swap3A_42], %reshape3A {strides = array<i32>} : memref<1x1024x768xf32, #tpu.memory_space<vmem>>, vector<1x1024x768xf32>,
    return
  }
  func.func @transform_0(%arg0: i32) -> (i32, i32) {
    %c0_i32 = arith.constant 0 : i32
    %c0_i32_0 = arith.constant 0 : i32
    return %arg0, %c0_i32 : i32, i32
  }
  func.func @transform_1(%arg0: i32) -> (i32, i32) {
    %add3A = arith.constant 0 : i32
    %add3A_0 = arith.addi %add3A, %arg0 : i32
    %c0_i32 = arith.constant 0 : i32
    %c0_i32_1 = arith.constant 0 : i32
    return %add3A_0, %c0_i32 : i32, i32
  }
  func.func @transform_2(%arg0: i32) -> (i32, i32) {
    %c0_i32 = arith.constant 0 : i32
    %c0_i32_0 = arith.constant 0 : i32
    %c0_i32_1 = arith.constant 0 : i32
    return %c0_i32, %c0_i32_0 : i32, i32
  }
  func.func @transform_3(%arg0: i32) -> (i32, i32) {
    %c0_i32 = arith.constant 0 : i32
    %c0_i32_0 = arith.constant 0 : i32
    %c0_i32_1 = arith.constant 0 : i32
    return %c0_i32, %c0_i32_0 : i32, i32
  }
  func.func @transform_4(%arg0: i32) -> (i32, i32) {
    %c0_i32 = arith.constant 0 : i32
    %c0_i32_0 = arith.constant 0 : i32
    %c0_i32_1 = arith.constant 0 : i32
    return %c0_i32, %c0_i32_0 : i32, i32
  }
  func.func @transform_5(%arg0: i32) -> (i32, i32) {
    %c0_i32 = arith.constant 0 : i32
    %c0_i32_0 = arith.constant 0 : i32
    %c0_i32_1 = arith.constant 0 : i32
    return %c0_i32, %c0_i32_0 : i32, i32
  }
  func.func @transform_6(%arg0: i32) -> (i32, i32, i32) {
    %add3A = arith.constant 0 : i32
    %add3A_0 = arith.addi %add3A, %arg0 : i32
    %jit3A = arith.constant 2 : i32
    %div3A = arith.divsi %add3A_0, %jit3A : i32
    %sign3A = arith.constant 0 : i32
    %sign3A_1 = arith.cmpi sgt, %add3A_0, %sign3A : i32
    %sign3A_2 = arith.extui %sign3A_1 : i1 to i32
    %sign3A_3 = arith.constant 0 : i32
    %sign3A_4 = arith.cmpi slt, %add3A_0, %sign3A_3 : i32
    %sign3A_5 = arith.extui %sign3A_4 : i1 to i32
    %sign3A_6 = arith.subi %sign3A_2, %sign3A_5 : i32
    %sign3A_7 = arith.constant 0 : i32
    %sign3A_8 = arith.cmpi sgt, %jit3A, %sign3A_7 : i32
    %sign3A_9 = arith.extui %sign3A_8 : i1 to i32
    %sign3A_10 = arith.constant 0 : i32
    %sign3A_11 = arith.cmpi slt, %jit3A, %sign3A_10 : i32
    %sign3A_12 = arith.extui %sign3A_11 : i1 to i32
    %sign3A_13 = arith.subi %sign3A_9, %sign3A_12 : i32
    %ne3A = arith.cmpi ne, %sign3A_6, %sign3A_13 : i32
    %rem3A = arith.remsi %add3A_0, %jit3A : i32
    %ne3A_14 = arith.constant 0 : i32
    %ne3A_15 = arith.cmpi ne, %rem3A, %ne3A_14 : i32
    %and3A = arith.andi %ne3A, %ne3A_15 : i1
    %sub3A = arith.constant 1 : i32
    %sub3A_16 = arith.subi %div3A, %sub3A : i32
    %select_n3A = arith.select %and3A, %sub3A_16, %div3A : i32
    %add3A_17 = arith.constant 0 : i32
    %add3A_18 = arith.addi %add3A_17, %arg0 : i32
    %jit3A_19 = arith.constant 2 : i32
    %eq3A = arith.constant 0 : i32
    %eq3A_20 = arith.cmpi eq, %jit3A_19, %eq3A : i32
    %jit3A_21 = arith.constant 1 : i32
    %select_n3A_22 = arith.select %eq3A_20, %jit3A_21, %jit3A_19 : i32
    %rem3A_23 = arith.remsi %add3A_18, %select_n3A_22 : i32
    %ne3A_24 = arith.constant 0 : i32
    %ne3A_25 = arith.cmpi ne, %rem3A_23, %ne3A_24 : i32
    %lt3A = arith.constant 0 : i32
    %lt3A_26 = arith.cmpi slt, %rem3A_23, %lt3A : i32
    %lt3A_27 = arith.constant 0 : i32
    %lt3A_28 = arith.cmpi slt, %select_n3A_22, %lt3A_27 : i32
    %ne3A_29 = arith.xori %lt3A_26, %lt3A_28 : i1
    %and3A_30 = arith.andi %ne3A_29, %ne3A_25 : i1
    %add3A_31 = arith.addi %rem3A_23, %select_n3A_22 : i32
    %select_n3A_32 = arith.select %and3A_30, %add3A_31, %rem3A_23 : i32
    %c0_i32 = arith.constant 0 : i32
    %c0_i32_33 = arith.constant 0 : i32
    return %select_n3A, %select_n3A_32, %c0_i32 : i32, i32, i32
  }
}

</mosaic_0001>

<sc_bundles>
// kernel: kernel.4.cloned.1.call-start
scs
__scs_entry_jumppad:
0x0: {  	(pc) =	sbr.rel $0x88, $3  }
0x1: {  	(tag) =	ssettag $0x0;
	lr =	simm.s32 $0x1  }
0x2: {  	[smem:$0x3F9B] =	sst lr;
	_ =	strace $0xD0000000  }
0x3: {  	_ = 	snop  }
0x4: {  	_ = 	snop  }
0x5: {  	_ = 	snop  }
0x6: {  	_ = 	snop  }
0x7: {  	_ = 	snop  }
__scs_overlays_trampoline_lowered:
0x8: {  	[smem:$0x3FAA] =	sst s0  }
0x9: {  	[smem:$0x3FAB] =	sst s1  }
0xa: {  	[smem:$0x3FAC] =	sst s2  }
0xb: {  	[smem:$0x3FAD] =	sst s3  }
0xc: {  	[smem:$0x3FAE] =	sst s4  }
0xd: {  	[smem:$0x3FAF] =	sst s5  }
0xe: {  	[smem:$0x3FB0] =	sst s6  }
0xf: {  	[smem:$0x3FB1] =	sst s7  }
0x10: {  	[smem:$0x3FB2] =	sst s8  }
0x11: {  	[smem:$0x3FB3] =	sst s9;
	s0 =	simm.s32 @!p0 $0x0  }
0x12: {  	s1 =	sld [smem:$0x3F99];
	s0 =	simm.s32 @p0 $0x1  }
0x13: {  	[smem:$0x3FB4] =	sst s0;
	s0 =	simm.s32 @!p1 $0x0  }
0x14: {  	s2 =	sld [smem:$0x3F98];
	s0 =	simm.s32 @p1 $0x1  }
0x15: {  	[smem:$0x3FB5] =	sst s0;
	s0 =	simm.s32 @!p2 $0x0  }
0x16: {  	s3 =	sld [smem:$0x3FDB];
	s0 =	simm.s32 @p2 $0x1  }
0x17: {  	s4 =	simm.s32 $0x1BF5;
	[smem:$0x3FB7] =	sst s0  }
0x18: {  	s0 =	sld [smem:$0x3F9A];
	_ =	swait.ge [sflag:s4], $0x0  }
0x19: {  	s7 =	sld [smem:$0x3F9B]  }
0x1a: {  	s8 =	sadd.s32 $0xFFFFE003, lr  }
0x1b: {  	s9 =	sadd.s32 $0xFFFFFEF7, lr;
	s5 =	simm.s32 $0xFFFFFFFF;
	p2 =	slt.u32 s8, $0xFFFFF086  }
0x1c: {  	p1 =	slt.u32 s9, $0xF7A;
	s5 =	simm.s32 @!p2 $0x0  }
0x1d: {  	s5 =	simm.s32 @p1 $0x1;
	p0 =	seq.s32 s7, s2  }
0x1e: {  	s7 =	smul.u32 @!p0 $0xF7A, s2;
	p2 =	seq.s32 @!p0 s5, $0x0  }
0x1f: {  	s9 =	smul.u32 $0xF7A, s1;
	s8 =	simm.s32 @!p0 $0x1BF5;
	p2 =	por !p2, p0  }
0x20: {  	[sflag:s8] =	ssyncset.s32 @!p0 $0xFFFFF086;
	s6 =	sadd.s32 @!p0 s3, s7;
	s7 =	simm.s32 @!p0 $0x108  }
0x21: {  	s3 =	sadd.s32 s3, s9;
	s6 =	sadd.s32 @!p0 $0x88, s6;
	s7 =	simm.s32 @p2 $0x1082  }
0x22: {  	[simem:s7], [sflag:s8] =	dma.local @!p0 [hbm:s6], $0xF7A  }
0x23: {  	s9 =	sor.u32 $0xD0000000, s2;
	s6 =	simm.s32 $0x108;
	_ =	swait.ge @!p0 [sflag:s8], $0x0  }
0x24: {  	s3 =	sadd.s32 $0x88, s3;
	s6 =	simm.s32 @!p1 $0x1082;
	[sflag:s4] =	ssyncset.s32 $0xFFFFF086  }
0x25: {  	[simem:s6], [sflag:s4] =	dma.local [hbm:s3], $0xF7A  }
0x26: {  	[smem:$0x3F9B] =	sst s1;
	(tag) =	ssettag s2;
	_ =	strace s9  }
0x27: {  	s1 =	sld [smem:$0x3FAB]  }
0x28: {  	s2 =	sld [smem:$0x3FAC]  }
0x29: {  	s4 =	sld [smem:$0x3FAE]  }
0x2a: {  	p0 =	seq.s32 s5, $0x0;
	s5 =	sld [smem:$0x3FAF]  }
0x2b: {  	s6 =	sld [smem:$0x3FB0]  }
0x2c: {  	s7 =	sld [smem:$0x3FB1]  }
0x2d: {  	s3 =	simm.s32 $0x108;
	s8 =	sld [smem:$0x3FB2]  }
0x2e: {  	s3 =	simm.s32 @!p0 $0x1082;
	s9 =	sld [smem:$0x3FB3]  }
0x2f: {  	lr =	sadd.s32 s0, s3;
	s0 =	sld [smem:$0x3FAA]  }
0x30: {  	s3 =	sld [smem:$0x3FAD]  }
0x31: {  	[smem:$0x3FB6] =	sst s10  }
0x32: {  	s10 =	sld [smem:$0x3FB4];
	_ =	sdelay $0x3  }
0x33: {  	p0 =	seq.s32 s10, $0x1;
	s10 =	sld [smem:$0x3FB6];
	_ =	sdelay $0x3  }
0x34: {  	[smem:$0x3FB6] =	sst s10  }
0x35: {  	s10 =	sld [smem:$0x3FB5];
	_ =	sdelay $0x3  }
0x36: {  	p1 =	seq.s32 s10, $0x1;
	s10 =	sld [smem:$0x3FB6];
	_ =	sdelay $0x3  }
0x37: {  	[smem:$0x3FB6] =	sst s10  }
0x38: {  	s10 =	sld [smem:$0x3FB7]  }
0x39: {  	_ = 	snop;
	(pc) =	sbr.ind lr, $3  }
0x3a: {  	_ = 	snop  }
0x3b: {  	_ = 	snop  }
0x3c: {  	p2 =	seq.s32 s10, $0x1;
	s10 =	sld [smem:$0x3FB6]  }
0x3d: {  	_ =	shalt  }
0x3e: {  	_ =	shalt  }
0x3f: {  	_ =	shalt  }
0x40: {  	_ =	shalt  }
0x41: {  	_ =	shalt  }
0x42: {  	_ =	shalt  }
0x43: {  	_ =	shalt  }
0x44: {  	_ =	shalt  }
0x45: {  	_ =	shalt  }
0x46: {  	_ =	shalt  }
0x47: {  	_ =	shalt  }
0x48: {  	_ =	shalt  }
0x49: {  	_ =	shalt  }
0x4a: {  	_ =	shalt  }
0x4b: {  	_ =	shalt  }
0x4c: {  	_ =	shalt  }
0x4d: {  	_ =	shalt  }
0x4e: {  	_ =	shalt  }
0x4f: {  	_ =	shalt  }
0x50: {  	_ =	shalt  }
0x51: {  	_ =	shalt  }
0x52: {  	_ =	shalt  }
0x53: {  	_ =	shalt  }
0x54: {  	_ =	shalt  }
0x55: {  	_ =	shalt  }
0x56: {  	_ =	shalt  }
0x57: {  	_ =	shalt  }
0x58: {  	_ =	shalt  }
0x59: {  	_ =	shalt  }
0x5a: {  	_ =	shalt  }
0x5b: {  	_ =	shalt  }
0x5c: {  	_ =	shalt  }
0x5d: {  	_ =	shalt  }
0x5e: {  	_ =	shalt  }
0x5f: {  	_ =	shalt  }
0x60: {  	_ =	shalt  }
0x61: {  	_ =	shalt  }
0x62: {  	_ =	shalt  }
0x63: {  	_ =	shalt  }
0x64: {  	_ =	shalt  }
0x65: {  	_ =	shalt  }
0x66: {  	_ =	shalt  }
0x67: {  	_ =	shalt  }
0x68: {  	_ =	shalt  }
0x69: {  	_ =	shalt  }
0x6a: {  	_ =	shalt  }
0x6b: {  	_ =	shalt  }
0x6c: {  	_ =	shalt  }
0x6d: {  	_ =	shalt  }
0x6e: {  	_ =	shalt  }
0x6f: {  	_ =	shalt  }
0x70: {  	_ =	shalt  }
0x71: {  	_ =	shalt  }
0x72: {  	_ =	shalt  }
0x73: {  	_ =	shalt  }
0x74: {  	_ =	shalt  }
0x75: {  	_ =	shalt  }
0x76: {  	_ =	shalt  }
0x77: {  	_ =	shalt  }
0x78: {  	_ =	shalt  }
0x79: {  	_ =	shalt  }
0x7a: {  	_ =	shalt  }
0x7b: {  	_ =	shalt  }
0x7c: {  	_ =	shalt  }
0x7d: {  	_ =	shalt  }
0x7e: {  	_ =	shalt  }
0x7f: {  	_ =	shalt  }
0x80: {  	_ =	shalt  }
0x81: {  	_ =	shalt  }
0x82: {  	_ =	shalt  }
0x83: {  	_ =	shalt  }
0x84: {  	_ =	shalt  }
0x85: {  	_ =	shalt  }
0x86: {  	_ =	shalt  }
0x87: {  	_ =	shalt  }
.Lfunc_end0:
.L_simem_size_0:
called_computation_lowered:
.L_overlay_start_0:
0x88: {  	s2 =	sld [smem:$0x3FD9]  }
0x89: {  	s3 =	sld [smem:$0x3FFE];
	_ =	sdelay $0x1  }
0x8a: {  	s1 =	srdreg.scid  }
0x8b: {  	s0 =	sand.u32 $0x1, s1  }
0x8c: {  	s17 =	sshll.u32 s0, $0xA;
	s2 =	sadd.s32 s3, s2  }
0x8d: {  	s2 =	sadd.s32 s2, s17  }
0x8e: {  	[smem:$0x3FC2] =	sst s2  }
0x8f: {  	_ = 	snop  }
0x90: {  	s2 =	sld [smem:$0x3FC9]  }
0x91: {  	s18 =	sld [smem:$0x3FC7];
	(tm) =	ssettm $0x1  }
0x92: {  	s4 =	sld [smem:$0x3FFB];
	_ =	sdelay $0x3  }
0x93: {  	_ =	strace s4  }
0x94: {  	s4 =	sld [smem:$0x3FFC];
	_ =	sdelay $0x3  }
0x95: {  	_ =	strace s4  }
0x96: {  	s4 =	sld [smem:$0x3FFD];
	_ =	sdelay $0x3  }
0x97: {  	_ =	strace s4  }
0x98: {  	_ =	strace $0x8FFFFFFF  }
0x99: {  	s19 =	sld [smem:$0x3FDB];
	_ =	sdelay $0x1  }
0x9a: {  	s5 =	simm.s32 $_scs_section_size  }
0x9b: {  	s6 =	simm.s32 $_size__tile_overlayer_lowered;
	s7 =	simm.s32 $_tile_overlayer_lowered  }
0x9c: {  	s22 =	simm.s32 $0x1BFF;
	s21 =	sshll.u32 s7, $0x1;
	s4 =	sadd.s32 s5, s19  }
0x9d: {  	s8 =	simm.s32 $0x0;
	s20 =	sshll.u32 s6, $0x1;
	s6 =	sadd.s32 s21, s4  }
0x9e: {  	[timem:s8], [sflag:s22] =	dma.local [hbm:s6], s20  }
0x9f: {  	_ =	swait.ge [sflag:s22], s20  }
0xa0: {  	s5 =	ssub.s32 $0x0, s20;
	[sflag:s22] =	ssyncset.done $0x0  }
0xa1: {  	[sflag:s22] =	ssyncadd.s32 s5;
	_ =	sdelay $0x1  }
0xa2: {  	s23 =	simm.s32 $0x1B8B  }
0xa3: {  	_ =	swait.ge [sflag:s23], $0x1  }
0xa4: {  	[sflag:s23] =	ssyncset.done $0x0  }
0xa5: {  	s25 =	simm.s32 $0x1B8E;
	s24 =	sld [smem:$0x3FFE];
	[sflag:s23] =	ssyncadd.s32 $0xFFFFFFFF  }
0xa6: {  	s26 =	simm.s32 $execute0_lowered;
	[smem:$0x3FD2] =	sst s25  }
0xa7: {  	s6 =	sshll.u32 s26, $0x1;
	_ =	strace $0x80000046;
	[dreg:$0x1] =	wrdreg $0xFFFFFFFF  }
0xa8: {  	s28 =	simm.s32 $_size_execute0_lowered;
	s4 =	sadd.s32 s4, s6;
	[dreg:$0x0] =	wrdreg $0x0  }
0xa9: {  	s6 =	sshll.u32 s28, $0x1;
	[dreg:$0x2] =	wrdreg s4  }
0xaa: {  	[dreg:$0x3] =	wrdreg s6  }
0xab: {  	[dreg:$0x4] =	wrdreg $0xC0  }
0xac: {  	_ =	task [dreg:s8], $0x5FFFF  }
0xad: {  	[dreg:$0x1] =	wrdreg $0xFFFFFFFF  }
0xae: {  	[dreg:$0x0] =	wrdreg $0x60  }
0xaf: {  	[dreg:$0x2] =	wrdreg s18  }
0xb0: {  	[dreg:$0x3] =	wrdreg s2  }
0xb1: {  	[dreg:$0x4] =	wrdreg s24  }
0xb2: {  	[dreg:$0x5] =	wrdreg $0x9  }
0xb3: {  	_ =	task.clear_ibuf [dreg:s8], $0x6FFFF;
	_ =	strace $0x90000046  }
0xb4: {  	s29 =	simm.s32 $0x9;
	_ =	strace $0x80000048  }
0xb5: {  	_ =	swait.ge [sflag:s29], $0x1  }
0xb6: {  	[sflag:s29] =	ssyncadd.s32 $0xFFFFFFFF  }
0xb7: {  	_ =	strace $0x90000048  }
0xb8: {  	_ =	sfence  }
0xb9: {  	s30 =	sld [smem:$0x0];
	_ =	sdelay $0x2  }
0xba: {  	s31 =	sshll.u32 s1, $0xD;
	s1 =	sshrl.u32 s1, $0x2  }
0xbb: {  	s3 =	sand.u32 $0x4000, s31;
	s1 =	sadd.s32 s1, s30  }
0xbc: {  	s0 =	sor.u32 s3, s0;
	s1 =	sshll.u32 s1, $0x11  }
0xbd: {  	s0 =	sor.u32 s1, s0  }
0xbe: {  	s0 =	sadd.s32 $0x8F2B, s0  }
0xbf: {  	[sflag:s0] =	ssyncadd.remote.s32 $0x1  }
0xc0: {  	_ =	sfence.sel $0xFFFF  }
0xc1: {  	[dreg:$0x0] =	wrdreg $0xFFFFFFFF;
	(pc) =	sbr.abs _section_cstart, $3  }
0xc2: {  	[dreg:$0x1] =	wrdreg $0xFFFFFFFF  }
0xc3: {  	_ =	task.clear_ibuf [dreg:s8], $0x2FFFF;
	_ =	strace $0x9FFFFFFF  }
0xc4: {  	(tm) =	ssettm $0x7FFFFFFF  }
0xc5: {  	_ =	shalt  }
tec
execute0_lowered:
.L_overlay_start_1:
0x0: {  	(tag) =	ssettag $0x1  }
0x1: {  	s1 =	rddreg [dreg:$0x0]  }
0x2: {  	s0 =	srdreg.scid;
	s2 =	rddreg [dreg:$0x1]  }
0x3: {  	s7 =	stileid.u32;
	s5 =	rddreg [dreg:$0x2]  }
0x4: {  	s25 =	simm.s32 $0x80;
	s26 =	simm.s32 $0x200;
	s28 =	simm.s32 $0x3100  }
0x5: {  	s29 =	simm.s32 $0x3900;
	s30 =	simm.s32 $0x4100;
	s31 =	simm.s32 $0x4900  }
0x6: {  	s11 =	simm.s32 $0x6100;
	s8 =	simm.s32 $0x12100;
	s0 =	sand.u32 $0x1, s0  }
0x7: {  	s3 =	sshll.u32 s7, $0x9;
	s7 =	sshll.u32 s7, $0x5;
	s4 =	sshll.u32 s0, $0x8  }
0x8: {  	s5 =	sadd.s32 $0x1000, s5;
	s0 =	ssub.s32 $0x2, s0;
	s4 =	sor.u32 s4, s3  }
0x9: {  	s3 =	simm.s32 $0x0;
	s6 =	sshll.u32 s4, $0x2;
	s4 =	sshrl.u32 s4, $0x3  }
0xa: {  	s23 =	sshrl.u32 s0, $0x1;
	[smem:$0x7FF] =	sst s3;
	s15 =	smul.u32 $0x300, s4  }
0xb: {  	s0 =	ssub.s32 s0, s23;
	s6 =	sor.u32 s7, s6;
	s4 =	smul.u32 $0x1800, s4  }
0xc: {  	_ =	strace $0x80000047;
	[dreg:$0xc] =	wrdreg s25;
	s7 =	smax.u32 s0, $0x1  }
0xd: {  	[dreg:$0xd] =	wrdreg s26;
	s25 =	simm.s32 $0x2100;
	s6 =	sand.u32 $0x1D80, s6  }
0xe: {  	s26 =	simm.s32 $0x2900;
	s6 =	sshrl.u32 s6, $0x3;
	s16 =	sadd.s32 s5, s15  }
0xf: {  	s4 =	sshrl.u32 s4, $0x3;
	s2 =	sadd.s32 s2, s6;
	[dreg:$0xe] =	wrdreg s16  }
0x10: {  	s15 =	simm.s32 $0xA900;
	s17 =	sadd.s32 $0xC00, s16;
	[dreg:$0x4] =	wrdreg s2  }
0x11: {  	s18 =	sadd.s32 $0x1800, s16;
	s4 =	sadd.s32 s5, s4;
	[dreg:$0x5] =	wrdreg s17  }
0x12: {  	s5 =	sadd.s32 $0x100, s1;
	[dreg:$0x6] =	wrdreg s18;
	s19 =	sadd.s32 $0x2400, s4  }
0x13: {  	s6 =	sadd.s32 $0x200, s1;
	s20 =	sadd.s32 $0x3000, s4;
	[dreg:$0x7] =	wrdreg s19  }
0x14: {  	s16 =	simm.s32 $0xB100;
	s21 =	sadd.s32 $0x3C00, s4;
	[dreg:$0x8] =	wrdreg s20  }
0x15: {  	s22 =	sadd.s32 $0x4800, s4;
	s24 =	sadd.s32 $0x5400, s4;
	[dreg:$0x9] =	wrdreg s21  }
0x16: {  	v2 =	vlaneseq.u32;
	s17 =	simm.s32 $0xB900;
	s18 =	simm.s32 $0xC100;
	[dreg:$0xa] =	wrdreg s22  }
0x17: {  	vm0 =	vmmov $0xffff;
	v1 =	vshrl.u32 v2, $0x3;
	s2 =	simm.s32 $0x2;
	s4 =	simm.s32 $0x5;
	[dreg:$0xb] =	wrdreg s24  }
0x18: {  	v0 =	vand.u32 $0x7, v2;
	v2 =	vor.u32 $0x8, v2;
	v1 =	vmul.u32 $0x8, v1;
	s21 =	simm.s32 $0x100;
	s24 =	simm.s32 $0x1900;
	s22 =	simm.s32 $0x8100  }
.LBB2_1:
0x19: {  	s19 =	rddreg [dreg:$0x4]  }
0x1a: {  	s20 =	rddreg [dreg:$0xc]  }
0x1b: {  	s23 =	rddreg [dreg:$0xd];
	s0 =	simm.s32 $0x9  }
0x1c: {  	[tilespmem:s3], [sflag:$0x9] =	stream.strided.gather [hbm4b:s19+s20], $0x100, s23, s20, $0x38;
	[tilespmem:$0x18100] =	vst v63  }
0x1d: {  	_ =	swait.ge [sflag:s0], $0x100  }
0x1e: {  	[sflag:s0] =	ssyncset.done $0x0  }
0x1f: {  	[sflag:s0] =	ssyncadd.s32 $0xFFFFFF00  }
0x20: {  	v3 =	vld [tilespmem:$0x0];
	_ =	sdelay $0x4  }
0x21: {  	v4 =	vshrl.u32 v3, $0x3  }
0x22: {  	v4 =	vmul.u32 $0x30, v4  }
0x23: {  	v3 =	vand.u32 $0x7, v3  }
0x24: {  	v3 =	vor.u32 v3, v4  }
0x25: {  	v4 =	vperm.xlane v3, v0;
	_ =	sdelay $0x1  }
0x26: {  	v4 =	vadd.s32 v1, v4;
	_ =	sdelay $0x3  }
0x27: {  	v3 =	vperm.xlane v3, v2  }
0x28: {  	[tilespmem:s21], [sflag:$0x1] =	stream.indirect_vreg.gather [hbm4b:s1+s3], $0x80, v4, vm0, $0xb8;
	[tilespmem:$0x18100] =	vst v63  }
0x29: {  	s20 =	simm.s32 $0x900;
	v3 =	vadd.s32 v1, v3  }
0x2a: {  	[tilespmem:s20], [sflag:$0x1] =	stream.indirect_vreg.gather [hbm4b:s5+s3], $0x80, v4, vm0, $0xb8;
	[tilespmem:$0x18100] =	vst v63  }
0x2b: {  	s23 =	simm.s32 $0x1100  }
0x2c: {  	[tilespmem:s23], [sflag:$0x1] =	stream.indirect_vreg.gather [hbm4b:s6+s3], $0x80, v4, vm0, $0xb8;
	[tilespmem:$0x18100] =	vst v63  }
0x2d: {  	_ = 	snop  }
0x2e: {  	[tilespmem:s24], [sflag:$0x1] =	stream.indirect_vreg.gather [hbm4b:s1+s3], $0x80, v3, vm0, $0xb8;
	[tilespmem:$0x18100] =	vst v63  }
0x2f: {  	_ = 	snop  }
0x30: {  	[tilespmem:s25], [sflag:$0x1] =	stream.indirect_vreg.gather [hbm4b:s5+s3], $0x80, v3, vm0, $0xb8;
	[tilespmem:$0x18100] =	vst v63  }
0x31: {  	_ = 	snop  }
0x32: {  	[tilespmem:s26], [sflag:$0x1] =	stream.indirect_vreg.gather [hbm4b:s6+s3], $0x80, v3, vm0, $0xb8;
	[tilespmem:$0x18100] =	vst v63  }
0x33: {  	v3 =	vld [tilespmem:$0x10];
	_ =	sdelay $0x4  }
0x34: {  	v49 =	vshrl.u32 v3, $0x3  }
0x35: {  	v4 =	vmul.u32 $0x30, v49  }
0x36: {  	v3 =	vand.u32 $0x7, v3  }
0x37: {  	v3 =	vor.u32 v3, v4  }
0x38: {  	v4 =	vperm.xlane v3, v0;
	_ =	sdelay $0x1  }
0x39: {  	v4 =	vadd.s32 v1, v4;
	_ =	sdelay $0x3  }
0x3a: {  	v3 =	vperm.xlane v3, v2  }
0x3b: {  	[tilespmem:s28], [sflag:$0x1] =	stream.indirect_vreg.gather [hbm4b:s1+s3], $0x80, v4, vm0, $0xb8;
	[tilespmem:$0x18100] =	vst v63  }
0x3c: {  	v3 =	vadd.s32 v1, v3  }
0x3d: {  	[tilespmem:s29], [sflag:$0x1] =	stream.indirect_vreg.gather [hbm4b:s5+s3], $0x80, v4, vm0, $0xb8;
	[tilespmem:$0x18100] =	vst v63  }
0x3e: {  	_ = 	snop  }
0x3f: {  	[tilespmem:s30], [sflag:$0x1] =	stream.indirect_vreg.gather [hbm4b:s6+s3], $0x80, v4, vm0, $0xb8;
	[tilespmem:$0x18100] =	vst v63  }
0x40: {  	_ = 	snop  }
0x41: {  	[tilespmem:s31], [sflag:$0x1] =	stream.indirect_vreg.gather [hbm4b:s1+s3], $0x80, v3, vm0, $0xb8;
	[tilespmem:$0x18100] =	vst v63  }
0x42: {  	s10 =	simm.s32 $0x5100  }
0x43: {  	[tilespmem:s10], [sflag:$0x1] =	stream.indirect_vreg.gather [hbm4b:s5+s3], $0x80, v3, vm0, $0xb8;
	[tilespmem:$0x18100] =	vst v63  }
0x44: {  	s9 =	simm.s32 $0x5900  }
0x45: {  	[tilespmem:s9], [sflag:$0x1] =	stream.indirect_vreg.gather [hbm4b:s6+s3], $0x80, v3, vm0, $0xb8;
	[tilespmem:$0x18100] =	vst v63  }
0x46: {  	v3 =	vld [tilespmem:$0x20];
	_ =	sdelay $0x4  }
0x47: {  	v50 =	vshrl.u32 v3, $0x3  }
0x48: {  	v4 =	vmul.u32 $0x30, v50  }
0x49: {  	v3 =	vand.u32 $0x7, v3  }
0x4a: {  	v3 =	vor.u32 v3, v4  }
0x4b: {  	v4 =	vperm.xlane v3, v0;
	_ =	sdelay $0x1  }
0x4c: {  	v4 =	vadd.s32 v1, v4;
	_ =	sdelay $0x3  }
0x4d: {  	v3 =	vperm.xlane v3, v2  }
0x4e: {  	[tilespmem:s11], [sflag:$0x2] =	stream.indirect_vreg.gather [hbm4b:s1+s3], $0x80, v4, vm0, $0xb8;
	[tilespmem:$0x18100] =	vst v63  }
0x4f: {  	s19 =	simm.s32 $0x6900;
	v3 =	vadd.s32 v1, v3  }
0x50: {  	[tilespmem:s19], [sflag:$0x2] =	stream.indirect_vreg.gather [hbm4b:s5+s3], $0x80, v4, vm0, $0xb8;
	[tilespmem:$0x18100] =	vst v63  }
0x51: {  	s12 =	simm.s32 $0x7100  }
0x52: {  	[tilespmem:s12], [sflag:$0x2] =	stream.indirect_vreg.gather [hbm4b:s6+s3], $0x80, v4, vm0, $0xb8;
	[tilespmem:$0x18100] =	vst v63  }
0x53: {  	s13 =	simm.s32 $0x7900  }
0x54: {  	[tilespmem:s13], [sflag:$0x2] =	stream.indirect_vreg.gather [hbm4b:s1+s3], $0x80, v3, vm0, $0xb8;
	[tilespmem:$0x18100] =	vst v63  }
0x55: {  	_ = 	snop  }
0x56: {  	[tilespmem:s22], [sflag:$0x2] =	stream.indirect_vreg.gather [hbm4b:s5+s3], $0x80, v3, vm0, $0xb8;
	[tilespmem:$0x18100] =	vst v63  }
0x57: {  	s14 =	simm.s32 $0x8900  }
0x58: {  	[tilespmem:s14], [sflag:$0x2] =	stream.indirect_vreg.gather [hbm4b:s6+s3], $0x80, v3, vm0, $0xb8;
	[tilespmem:$0x18100] =	vst v63  }
0x59: {  	v3 =	vld [tilespmem:$0x30];
	_ =	sdelay $0x4  }
0x5a: {  	v51 =	vshrl.u32 v3, $0x3  }
0x5b: {  	v4 =	vmul.u32 $0x30, v51  }
0x5c: {  	v3 =	vand.u32 $0x7, v3  }
0x5d: {  	v3 =	vor.u32 v3, v4  }
0x5e: {  	v4 =	vperm.xlane v3, v0;
	_ =	sdelay $0x1  }
0x5f: {  	v4 =	vadd.s32 v1, v4;
	_ =	sdelay $0x3  }
0x60: {  	s12 =	simm.s32 $0x9100;
	v3 =	vperm.xlane v3, v2  }
0x61: {  	[tilespmem:s12], [sflag:$0x2] =	stream.indirect_vreg.gather [hbm4b:s1+s3], $0x80, v4, vm0, $0xb8;
	[tilespmem:$0x18100] =	vst v63  }
0x62: {  	s13 =	simm.s32 $0x9900;
	v3 =	vadd.s32 v1, v3  }
0x63: {  	[tilespmem:s13], [sflag:$0x2] =	stream.indirect_vreg.gather [hbm4b:s5+s3], $0x80, v4, vm0, $0xb8;
	[tilespmem:$0x18100] =	vst v63  }
0x64: {  	s14 =	simm.s32 $0xA100  }
0x65: {  	[tilespmem:s14], [sflag:$0x2] =	stream.indirect_vreg.gather [hbm4b:s6+s3], $0x80, v4, vm0, $0xb8;
	[tilespmem:$0x18100] =	vst v63  }
0x66: {  	_ = 	snop  }
0x67: {  	[tilespmem:s15], [sflag:$0x2] =	stream.indirect_vreg.gather [hbm4b:s1+s3], $0x80, v3, vm0, $0xb8;
	[tilespmem:$0x18100] =	vst v63  }
0x68: {  	_ = 	snop  }
0x69: {  	[tilespmem:s16], [sflag:$0x2] =	stream.indirect_vreg.gather [hbm4b:s5+s3], $0x80, v3, vm0, $0xb8;
	[tilespmem:$0x18100] =	vst v63  }
0x6a: {  	_ = 	snop  }
0x6b: {  	[tilespmem:s17], [sflag:$0x2] =	stream.indirect_vreg.gather [hbm4b:s6+s3], $0x80, v3, vm0, $0xb8;
	[tilespmem:$0x18100] =	vst v63  }
0x6c: {  	v3 =	vld [tilespmem:$0x40];
	_ =	sdelay $0x4  }
0x6d: {  	v52 =	vshrl.u32 v3, $0x3  }
0x6e: {  	v4 =	vmul.u32 $0x30, v52  }
0x6f: {  	v3 =	vand.u32 $0x7, v3  }
0x70: {  	v3 =	vor.u32 v3, v4  }
0x71: {  	v4 =	vperm.xlane v3, v0;
	_ =	sdelay $0x1  }
0x72: {  	v4 =	vadd.s32 v1, v4;
	_ =	sdelay $0x3  }
0x73: {  	v3 =	vperm.xlane v3, v2  }
0x74: {  	[tilespmem:s18], [sflag:$0x3] =	stream.indirect_vreg.gather [hbm4b:s1+s3], $0x80, v4, vm0, $0xb8;
	[tilespmem:$0x18100] =	vst v63  }
0x75: {  	s19 =	simm.s32 $0xC900;
	v3 =	vadd.s32 v1, v3  }
0x76: {  	[tilespmem:s19], [sflag:$0x3] =	stream.indirect_vreg.gather [hbm4b:s5+s3], $0x80, v4, vm0, $0xb8;
	[tilespmem:$0x18100] =	vst v63  }
0x77: {  	s19 =	simm.s32 $0xD100  }
0x78: {  	[tilespmem:s19], [sflag:$0x3] =	stream.indirect_vreg.gather [hbm4b:s6+s3], $0x80, v4, vm0, $0xb8;
	[tilespmem:$0x18100] =	vst v63  }
0x79: {  	s19 =	simm.s32 $0xD900  }
0x7a: {  	[tilespmem:s19], [sflag:$0x3] =	stream.indirect_vreg.gather [hbm4b:s1+s3], $0x80, v3, vm0, $0xb8;
	[tilespmem:$0x18100] =	vst v63  }
0x7b: {  	s19 =	simm.s32 $0xE100  }
0x7c: {  	[tilespmem:s19], [sflag:$0x3] =	stream.indirect_vreg.gather [hbm4b:s5+s3], $0x80, v3, vm0, $0xb8;
	[tilespmem:$0x18100] =	vst v63  }
0x7d: {  	s19 =	simm.s32 $0xE900  }
0x7e: {  	[tilespmem:s19], [sflag:$0x3] =	stream.indirect_vreg.gather [hbm4b:s6+s3], $0x80, v3, vm0, $0xb8;
	[tilespmem:$0x18100] =	vst v63  }
0x7f: {  	v3 =	vld [tilespmem:$0x50];
	_ =	sdelay $0x4  }
0x80: {  	v53 =	vshrl.u32 v3, $0x3  }
0x81: {  	v4 =	vmul.u32 $0x30, v53  }
0x82: {  	v3 =	vand.u32 $0x7, v3  }
0x83: {  	v3 =	vor.u32 v3, v4  }
0x84: {  	v4 =	vperm.xlane v3, v0;
	_ =	sdelay $0x1  }
0x85: {  	v4 =	vadd.s32 v1, v4;
	_ =	sdelay $0x3  }
0x86: {  	s19 =	simm.s32 $0xF100;
	v3 =	vperm.xlane v3, v2  }
0x87: {  	[tilespmem:s19], [sflag:$0x3] =	stream.indirect_vreg.gather [hbm4b:s1+s3], $0x80, v4, vm0, $0xb8;
	[tilespmem:$0x18100] =	vst v63  }
0x88: {  	v3 =	vadd.s32 v1, v3;
	s19 =	simm.s32 $0xF900  }
0x89: {  	[tilespmem:s19], [sflag:$0x3] =	stream.indirect_vreg.gather [hbm4b:s5+s3], $0x80, v4, vm0, $0xb8;
	[tilespmem:$0x18100] =	vst v63  }
0x8a: {  	s19 =	simm.s32 $0x10100  }
0x8b: {  	[tilespmem:s19], [sflag:$0x3] =	stream.indirect_vreg.gather [hbm4b:s6+s3], $0x80, v4, vm0, $0xb8;
	[tilespmem:$0x18100] =	vst v63  }
0x8c: {  	s19 =	simm.s32 $0x10900  }
0x8d: {  	[tilespmem:s19], [sflag:$0x3] =	stream.indirect_vreg.gather [hbm4b:s1+s3], $0x80, v3, vm0, $0xb8;
	[tilespmem:$0x18100] =	vst v63  }
0x8e: {  	s19 =	simm.s32 $0x11100  }
0x8f: {  	[tilespmem:s19], [sflag:$0x3] =	stream.indirect_vreg.gather [hbm4b:s5+s3], $0x80, v3, vm0, $0xb8;
	[tilespmem:$0x18100] =	vst v63  }
0x90: {  	s19 =	simm.s32 $0x11900  }
0x91: {  	[tilespmem:s19], [sflag:$0x3] =	stream.indirect_vreg.gather [hbm4b:s6+s3], $0x80, v3, vm0, $0xb8;
	[tilespmem:$0x18100] =	vst v63  }
0x92: {  	v3 =	vld [tilespmem:$0x60];
	_ =	sdelay $0x4  }
0x93: {  	v54 =	vshrl.u32 v3, $0x3  }
0x94: {  	v4 =	vmul.u32 $0x30, v54  }
0x95: {  	v3 =	vand.u32 $0x7, v3  }
0x96: {  	v3 =	vor.u32 v3, v4  }
0x97: {  	v4 =	vperm.xlane v3, v0;
	_ =	sdelay $0x1  }
0x98: {  	v4 =	vadd.s32 v1, v4;
	_ =	sdelay $0x3  }
0x99: {  	v3 =	vperm.xlane v3, v2  }
0x9a: {  	[tilespmem:s8], [sflag:$0x4] =	stream.indirect_vreg.gather [hbm4b:s1+s3], $0x80, v4, vm0, $0xb8;
	[tilespmem:$0x18100] =	vst v63  }
0x9b: {  	s19 =	simm.s32 $0x12900;
	v3 =	vadd.s32 v1, v3  }
0x9c: {  	[tilespmem:s19], [sflag:$0x4] =	stream.indirect_vreg.gather [hbm4b:s5+s3], $0x80, v4, vm0, $0xb8;
	[tilespmem:$0x18100] =	vst v63  }
0x9d: {  	s19 =	simm.s32 $0x13100  }
0x9e: {  	[tilespmem:s19], [sflag:$0x4] =	stream.indirect_vreg.gather [hbm4b:s6+s3], $0x80, v4, vm0, $0xb8;
	[tilespmem:$0x18100] =	vst v63  }
0x9f: {  	s19 =	simm.s32 $0x13900  }
0xa0: {  	[tilespmem:s19], [sflag:$0x4] =	stream.indirect_vreg.gather [hbm4b:s1+s3], $0x80, v3, vm0, $0xb8;
	[tilespmem:$0x18100] =	vst v63  }
0xa1: {  	s19 =	simm.s32 $0x14100  }
0xa2: {  	[tilespmem:s19], [sflag:$0x4] =	stream.indirect_vreg.gather [hbm4b:s5+s3], $0x80, v3, vm0, $0xb8;
	[tilespmem:$0x18100] =	vst v63  }
0xa3: {  	s19 =	simm.s32 $0x14900  }
0xa4: {  	[tilespmem:s19], [sflag:$0x4] =	stream.indirect_vreg.gather [hbm4b:s6+s3], $0x80, v3, vm0, $0xb8;
	[tilespmem:$0x18100] =	vst v63  }
0xa5: {  	v3 =	vld [tilespmem:$0x70];
	_ =	sdelay $0x4  }
0xa6: {  	v55 =	vshrl.u32 v3, $0x3  }
0xa7: {  	v4 =	vmul.u32 $0x30, v55  }
0xa8: {  	v3 =	vand.u32 $0x7, v3  }
0xa9: {  	v3 =	vor.u32 v3, v4  }
0xaa: {  	v4 =	vperm.xlane v3, v0;
	_ =	sdelay $0x1  }
0xab: {  	v4 =	vadd.s32 v1, v4;
	_ =	sdelay $0x3  }
0xac: {  	s19 =	simm.s32 $0x15100;
	v3 =	vperm.xlane v3, v2  }
0xad: {  	[tilespmem:s19], [sflag:$0x4] =	stream.indirect_vreg.gather [hbm4b:s1+s3], $0x80, v4, vm0, $0xb8;
	[tilespmem:$0x18100] =	vst v63  }
0xae: {  	v3 =	vadd.s32 v1, v3;
	s19 =	simm.s32 $0x15900  }
0xaf: {  	[tilespmem:s19], [sflag:$0x4] =	stream.indirect_vreg.gather [hbm4b:s5+s3], $0x80, v4, vm0, $0xb8;
	[tilespmem:$0x18100] =	vst v63  }
0xb0: {  	s19 =	simm.s32 $0x16100  }
0xb1: {  	[tilespmem:s19], [sflag:$0x4] =	stream.indirect_vreg.gather [hbm4b:s6+s3], $0x80, v4, vm0, $0xb8;
	[tilespmem:$0x18100] =	vst v63  }
0xb2: {  	s19 =	simm.s32 $0x16900  }
0xb3: {  	[tilespmem:s19], [sflag:$0x4] =	stream.indirect_vreg.gather [hbm4b:s1+s3], $0x80, v3, vm0, $0xb8;
	[tilespmem:$0x18100] =	vst v63  }
0xb4: {  	s19 =	simm.s32 $0x17100  }
0xb5: {  	[tilespmem:s19], [sflag:$0x4] =	stream.indirect_vreg.gather [hbm4b:s5+s3], $0x80, v3, vm0, $0xb8;
	[tilespmem:$0x18100] =	vst v63  }
0xb6: {  	s0 =	simm.s32 $0x1;
	s19 =	simm.s32 $0x17900  }
0xb7: {  	[tilespmem:s19], [sflag:$0x4] =	stream.indirect_vreg.gather [hbm4b:s6+s3], $0x80, v3, vm0, $0xb8;
	[tilespmem:$0x18100] =	vst v63  }
0xb8: {  	_ =	swait.ge [sflag:s0], $0x6000  }
0xb9: {  	[sflag:s0] =	ssyncset.done $0x0  }
0xba: {  	s19 =	rddreg [dreg:$0xe];
	[sflag:s0] =	ssyncadd.s32 $0xFFFFA000  }
0xbb: {  	[hbm4b:s19+s3] =	stream.linear.scatter [tilespmem:s21], [sflag:$0x5], $0x6000, $0x38;
	[tilespmem:$0x18100] =	vst v63  }
0xbc: {  	_ =	swait.ge [sflag:s2], $0x6000  }
0xbd: {  	[sflag:s2] =	ssyncset.done $0x0  }
0xbe: {  	s19 =	rddreg [dreg:$0x5];
	[sflag:s2] =	ssyncadd.s32 $0xFFFFA000  }
0xbf: {  	[hbm4b:s19+s3] =	stream.linear.scatter [tilespmem:s11], [sflag:$0x6], $0x6000, $0x38;
	[tilespmem:$0x18100] =	vst v63  }
0xc0: {  	_ =	swait.ge [sflag:s4], $0x6000  }
0xc1: {  	[sflag:s4] =	ssyncset.done $0x0  }
0xc2: {  	[sflag:s4] =	ssyncadd.s32 $0xFFFFA000  }
0xc3: {  	v3 =	vld [tilespmem:$0x80];
	_ =	sdelay $0x4  }
0xc4: {  	v56 =	vshrl.u32 v3, $0x3  }
0xc5: {  	v4 =	vmul.u32 $0x30, v56  }
0xc6: {  	v3 =	vand.u32 $0x7, v3  }
0xc7: {  	v3 =	vor.u32 v3, v4  }
0xc8: {  	v4 =	vperm.xlane v3, v0;
	_ =	sdelay $0x1  }
0xc9: {  	v4 =	vadd.s32 v1, v4;
	_ =	sdelay $0x3  }
0xca: {  	v3 =	vperm.xlane v3, v2  }
0xcb: {  	[tilespmem:s21], [sflag:$0x1] =	stream.indirect_vreg.gather [hbm4b:s1+s3], $0x80, v4, vm0, $0xb8;
	[tilespmem:$0x18100] =	vst v63  }
0xcc: {  	v3 =	vadd.s32 v1, v3  }
0xcd: {  	[tilespmem:s20], [sflag:$0x1] =	stream.indirect_vreg.gather [hbm4b:s5+s3], $0x80, v4, vm0, $0xb8;
	[tilespmem:$0x18100] =	vst v63  }
0xce: {  	_ = 	snop  }
0xcf: {  	[tilespmem:s23], [sflag:$0x1] =	stream.indirect_vreg.gather [hbm4b:s6+s3], $0x80, v4, vm0, $0xb8;
	[tilespmem:$0x18100] =	vst v63  }
0xd0: {  	_ = 	snop  }
0xd1: {  	[tilespmem:s24], [sflag:$0x1] =	stream.indirect_vreg.gather [hbm4b:s1+s3], $0x80, v3, vm0, $0xb8;
	[tilespmem:$0x18100] =	vst v63  }
0xd2: {  	_ = 	snop  }
0xd3: {  	[tilespmem:s25], [sflag:$0x1] =	stream.indirect_vreg.gather [hbm4b:s5+s3], $0x80, v3, vm0, $0xb8;
	[tilespmem:$0x18100] =	vst v63  }
0xd4: {  	_ = 	snop  }
0xd5: {  	[tilespmem:s26], [sflag:$0x1] =	stream.indirect_vreg.gather [hbm4b:s6+s3], $0x80, v3, vm0, $0xb8;
	[tilespmem:$0x18100] =	vst v63  }
0xd6: {  	v3 =	vld [tilespmem:$0x90];
	_ =	sdelay $0x4  }
0xd7: {  	v57 =	vshrl.u32 v3, $0x3  }
0xd8: {  	v4 =	vmul.u32 $0x30, v57  }
0xd9: {  	v3 =	vand.u32 $0x7, v3  }
0xda: {  	v3 =	vor.u32 v3, v4  }
0xdb: {  	v4 =	vperm.xlane v3, v0;
	_ =	sdelay $0x1  }
0xdc: {  	v4 =	vadd.s32 v1, v4;
	_ =	sdelay $0x3  }
0xdd: {  	v3 =	vperm.xlane v3, v2  }
0xde: {  	[tilespmem:s28], [sflag:$0x1] =	stream.indirect_vreg.gather [hbm4b:s1+s3], $0x80, v4, vm0, $0xb8;
	[tilespmem:$0x18100] =	vst v63  }
0xdf: {  	v3 =	vadd.s32 v1, v3  }
0xe0: {  	[tilespmem:s29], [sflag:$0x1] =	stream.indirect_vreg.gather [hbm4b:s5+s3], $0x80, v4, vm0, $0xb8;
	[tilespmem:$0x18100] =	vst v63  }
0xe1: {  	_ = 	snop  }
0xe2: {  	[tilespmem:s30], [sflag:$0x1] =	stream.indirect_vreg.gather [hbm4b:s6+s3], $0x80, v4, vm0, $0xb8;
	[tilespmem:$0x18100] =	vst v63  }
0xe3: {  	_ = 	snop  }
0xe4: {  	[tilespmem:s31], [sflag:$0x1] =	stream.indirect_vreg.gather [hbm4b:s1+s3], $0x80, v3, vm0, $0xb8;
	[tilespmem:$0x18100] =	vst v63  }
0xe5: {  	_ = 	snop  }
0xe6: {  	[tilespmem:s10], [sflag:$0x1] =	stream.indirect_vreg.gather [hbm4b:s5+s3], $0x80, v3, vm0, $0xb8;
	[tilespmem:$0x18100] =	vst v63  }
0xe7: {  	_ = 	snop  }
0xe8: {  	[tilespmem:s9], [sflag:$0x1] =	stream.indirect_vreg.gather [hbm4b:s6+s3], $0x80, v3, vm0, $0xb8;
	[tilespmem:$0x18100] =	vst v63  }
0xe9: {  	s9 =	simm.s32 $0x3  }
0xea: {  	_ =	swait.ge [sflag:s9], $0x6000  }
0xeb: {  	[sflag:s9] =	ssyncset.done $0x0  }
0xec: {  	s10 =	rddreg [dreg:$0x6];
	[sflag:s9] =	ssyncadd.s32 $0xFFFFA000  }
0xed: {  	[hbm4b:s10+s3] =	stream.linear.scatter [tilespmem:s18], [sflag:$0x7], $0x6000, $0x38;
	[tilespmem:$0x18100] =	vst v63  }
0xee: {  	s10 =	simm.s32 $0x6  }
0xef: {  	_ =	swait.ge [sflag:s10], $0x6000  }
0xf0: {  	[sflag:s10] =	ssyncset.done $0x0  }
0xf1: {  	[sflag:s10] =	ssyncadd.s32 $0xFFFFA000  }
0xf2: {  	v3 =	vld [tilespmem:$0xA0];
	_ =	sdelay $0x4  }
0xf3: {  	v58 =	vshrl.u32 v3, $0x3  }
0xf4: {  	v4 =	vmul.u32 $0x30, v58  }
0xf5: {  	v3 =	vand.u32 $0x7, v3  }
0xf6: {  	v3 =	vor.u32 v3, v4  }
0xf7: {  	v4 =	vperm.xlane v3, v0;
	_ =	sdelay $0x1  }
0xf8: {  	v4 =	vadd.s32 v1, v4;
	_ =	sdelay $0x3  }
0xf9: {  	v3 =	vperm.xlane v3, v2  }
0xfa: {  	[tilespmem:s11], [sflag:$0x2] =	stream.indirect_vreg.gather [hbm4b:s1+s3], $0x80, v4, vm0, $0xb8;
	[tilespmem:$0x18100] =	vst v63  }
0xfb: {  	s20 =	simm.s32 $0x6900;
	v3 =	vadd.s32 v1, v3  }
0xfc: {  	[tilespmem:s20], [sflag:$0x2] =	stream.indirect_vreg.gather [hbm4b:s5+s3], $0x80, v4, vm0, $0xb8;
	[tilespmem:$0x18100] =	vst v63  }
0xfd: {  	s23 =	simm.s32 $0x7100  }
0xfe: {  	[tilespmem:s23], [sflag:$0x2] =	stream.indirect_vreg.gather [hbm4b:s6+s3], $0x80, v4, vm0, $0xb8;
	[tilespmem:$0x18100] =	vst v63  }
0xff: {  	s20 =	simm.s32 $0x7900  }
0x100: {  	[tilespmem:s20], [sflag:$0x2] =	stream.indirect_vreg.gather [hbm4b:s1+s3], $0x80, v3, vm0, $0xb8;
	[tilespmem:$0x18100] =	vst v63  }
0x101: {  	_ = 	snop  }
0x102: {  	[tilespmem:s22], [sflag:$0x2] =	stream.indirect_vreg.gather [hbm4b:s5+s3], $0x80, v3, vm0, $0xb8;
	[tilespmem:$0x18100] =	vst v63  }
0x103: {  	s23 =	simm.s32 $0x8900  }
0x104: {  	[tilespmem:s23], [sflag:$0x2] =	stream.indirect_vreg.gather [hbm4b:s6+s3], $0x80, v3, vm0, $0xb8;
	[tilespmem:$0x18100] =	vst v63  }
0x105: {  	v3 =	vld [tilespmem:$0xB0];
	_ =	sdelay $0x4  }
0x106: {  	v59 =	vshrl.u32 v3, $0x3  }
0x107: {  	v4 =	vmul.u32 $0x30, v59  }
0x108: {  	v3 =	vand.u32 $0x7, v3  }
0x109: {  	v3 =	vor.u32 v3, v4  }
0x10a: {  	v4 =	vperm.xlane v3, v0;
	_ =	sdelay $0x1  }
0x10b: {  	v4 =	vadd.s32 v1, v4;
	_ =	sdelay $0x3  }
0x10c: {  	v3 =	vperm.xlane v3, v2  }
0x10d: {  	[tilespmem:s12], [sflag:$0x2] =	stream.indirect_vreg.gather [hbm4b:s1+s3], $0x80, v4, vm0, $0xb8;
	[tilespmem:$0x18100] =	vst v63  }
0x10e: {  	v3 =	vadd.s32 v1, v3  }
0x10f: {  	[tilespmem:s13], [sflag:$0x2] =	stream.indirect_vreg.gather [hbm4b:s5+s3], $0x80, v4, vm0, $0xb8;
	[tilespmem:$0x18100] =	vst v63  }
0x110: {  	_ = 	snop  }
0x111: {  	[tilespmem:s14], [sflag:$0x2] =	stream.indirect_vreg.gather [hbm4b:s6+s3], $0x80, v4, vm0, $0xb8;
	[tilespmem:$0x18100] =	vst v63  }
0x112: {  	_ = 	snop  }
0x113: {  	[tilespmem:s15], [sflag:$0x2] =	stream.indirect_vreg.gather [hbm4b:s1+s3], $0x80, v3, vm0, $0xb8;
	[tilespmem:$0x18100] =	vst v63  }
0x114: {  	_ = 	snop  }
0x115: {  	[tilespmem:s16], [sflag:$0x2] =	stream.indirect_vreg.gather [hbm4b:s5+s3], $0x80, v3, vm0, $0xb8;
	[tilespmem:$0x18100] =	vst v63  }
0x116: {  	s12 =	simm.s32 $0x4  }
0x117: {  	[tilespmem:s17], [sflag:$0x2] =	stream.indirect_vreg.gather [hbm4b:s6+s3], $0x80, v3, vm0, $0xb8;
	[tilespmem:$0x18100] =	vst v63  }
0x118: {  	_ =	swait.ge [sflag:s12], $0x6000  }
0x119: {  	[sflag:s12] =	ssyncset.done $0x0  }
0x11a: {  	s13 =	simm.s32 $0x7;
	s14 =	rddreg [dreg:$0x7];
	[sflag:s12] =	ssyncadd.s32 $0xFFFFA000  }
0x11b: {  	[hbm4b:s14+s3] =	stream.linear.scatter [tilespmem:s8], [sflag:$0x8], $0x6000, $0x38;
	[tilespmem:$0x18100] =	vst v63  }
0x11c: {  	_ =	swait.ge [sflag:s13], $0x6000  }
0x11d: {  	[sflag:s13] =	ssyncset.done $0x0  }
0x11e: {  	[sflag:s13] =	ssyncadd.s32 $0xFFFFA000  }
0x11f: {  	v3 =	vld [tilespmem:$0xC0];
	_ =	sdelay $0x4  }
0x120: {  	v60 =	vshrl.u32 v3, $0x3  }
0x121: {  	v4 =	vmul.u32 $0x30, v60  }
0x122: {  	v3 =	vand.u32 $0x7, v3  }
0x123: {  	v3 =	vor.u32 v3, v4  }
0x124: {  	v4 =	vperm.xlane v3, v0;
	_ =	sdelay $0x1  }
0x125: {  	v4 =	vadd.s32 v1, v4;
	_ =	sdelay $0x3  }
0x126: {  	v3 =	vperm.xlane v3, v2  }
0x127: {  	[tilespmem:s18], [sflag:$0x3] =	stream.indirect_vreg.gather [hbm4b:s1+s3], $0x80, v4, vm0, $0xb8;
	[tilespmem:$0x18100] =	vst v63  }
0x128: {  	s20 =	simm.s32 $0xC900;
	v3 =	vadd.s32 v1, v3  }
0x129: {  	[tilespmem:s20], [sflag:$0x3] =	stream.indirect_vreg.gather [hbm4b:s5+s3], $0x80, v4, vm0, $0xb8;
	[tilespmem:$0x18100] =	vst v63  }
0x12a: {  	s23 =	simm.s32 $0xD100  }
0x12b: {  	[tilespmem:s23], [sflag:$0x3] =	stream.indirect_vreg.gather [hbm4b:s6+s3], $0x80, v4, vm0, $0xb8;
	[tilespmem:$0x18100] =	vst v63  }
0x12c: {  	s19 =	simm.s32 $0xD900  }
0x12d: {  	[tilespmem:s19], [sflag:$0x3] =	stream.indirect_vreg.gather [hbm4b:s1+s3], $0x80, v3, vm0, $0xb8;
	[tilespmem:$0x18100] =	vst v63  }
0x12e: {  	s20 =	simm.s32 $0xE100  }
0x12f: {  	[tilespmem:s20], [sflag:$0x3] =	stream.indirect_vreg.gather [hbm4b:s5+s3], $0x80, v3, vm0, $0xb8;
	[tilespmem:$0x18100] =	vst v63  }
0x130: {  	s23 =	simm.s32 $0xE900  }
0x131: {  	[tilespmem:s23], [sflag:$0x3] =	stream.indirect_vreg.gather [hbm4b:s6+s3], $0x80, v3, vm0, $0xb8;
	[tilespmem:$0x18100] =	vst v63  }
0x132: {  	v3 =	vld [tilespmem:$0xD0];
	_ =	sdelay $0x4  }
0x133: {  	v61 =	vshrl.u32 v3, $0x3  }
0x134: {  	v4 =	vmul.u32 $0x30, v61  }
0x135: {  	v3 =	vand.u32 $0x7, v3  }
0x136: {  	v3 =	vor.u32 v3, v4  }
0x137: {  	v4 =	vperm.xlane v3, v0;
	_ =	sdelay $0x1  }
0x138: {  	v4 =	vadd.s32 v1, v4;
	_ =	sdelay $0x3  }
0x139: {  	s19 =	simm.s32 $0xF100;
	v3 =	vperm.xlane v3, v2  }
0x13a: {  	[tilespmem:s19], [sflag:$0x3] =	stream.indirect_vreg.gather [hbm4b:s1+s3], $0x80, v4, vm0, $0xb8;
	[tilespmem:$0x18100] =	vst v63  }
0x13b: {  	s20 =	simm.s32 $0xF900;
	v3 =	vadd.s32 v1, v3  }
0x13c: {  	[tilespmem:s20], [sflag:$0x3] =	stream.indirect_vreg.gather [hbm4b:s5+s3], $0x80, v4, vm0, $0xb8;
	[tilespmem:$0x18100] =	vst v63  }
0x13d: {  	s23 =	simm.s32 $0x10100  }
0x13e: {  	[tilespmem:s23], [sflag:$0x3] =	stream.indirect_vreg.gather [hbm4b:s6+s3], $0x80, v4, vm0, $0xb8;
	[tilespmem:$0x18100] =	vst v63  }
0x13f: {  	s19 =	simm.s32 $0x10900  }
0x140: {  	[tilespmem:s19], [sflag:$0x3] =	stream.indirect_vreg.gather [hbm4b:s1+s3], $0x80, v3, vm0, $0xb8;
	[tilespmem:$0x18100] =	vst v63  }
0x141: {  	s20 =	simm.s32 $0x11100  }
0x142: {  	[tilespmem:s20], [sflag:$0x3] =	stream.indirect_vreg.gather [hbm4b:s5+s3], $0x80, v3, vm0, $0xb8;
	[tilespmem:$0x18100] =	vst v63  }
0x143: {  	s23 =	simm.s32 $0x11900  }
0x144: {  	[tilespmem:s23], [sflag:$0x3] =	stream.indirect_vreg.gather [hbm4b:s6+s3], $0x80, v3, vm0, $0xb8;
	[tilespmem:$0x18100] =	vst v63  }
0x145: {  	_ =	swait.ge [sflag:s0], $0x6000  }
0x146: {  	[sflag:s0] =	ssyncset.done $0x0  }
0x147: {  	s14 =	rddreg [dreg:$0x8];
	[sflag:s0] =	ssyncadd.s32 $0xFFFFA000;
	s0 =	simm.s32 $0x8  }
0x148: {  	[hbm4b:s14+s3] =	stream.linear.scatter [tilespmem:s21], [sflag:$0x5], $0x6000, $0x38;
	[tilespmem:$0x18100] =	vst v63  }
0x149: {  	_ =	swait.ge [sflag:s0], $0x6000  }
0x14a: {  	[sflag:s0] =	ssyncset.done $0x0  }
0x14b: {  	[sflag:s0] =	ssyncadd.s32 $0xFFFFA000  }
0x14c: {  	v3 =	vld [tilespmem:$0xE0];
	_ =	sdelay $0x4  }
0x14d: {  	v62 =	vshrl.u32 v3, $0x3  }
0x14e: {  	v4 =	vmul.u32 $0x30, v62  }
0x14f: {  	v3 =	vand.u32 $0x7, v3  }
0x150: {  	v3 =	vor.u32 v3, v4  }
0x151: {  	v4 =	vperm.xlane v3, v0;
	_ =	sdelay $0x1  }
0x152: {  	v4 =	vadd.s32 v1, v4;
	_ =	sdelay $0x3  }
0x153: {  	v3 =	vperm.xlane v3, v2  }
0x154: {  	[tilespmem:s8], [sflag:$0x4] =	stream.indirect_vreg.gather [hbm4b:s1+s3], $0x80, v4, vm0, $0xb8;
	[tilespmem:$0x18100] =	vst v63  }
0x155: {  	s20 =	simm.s32 $0x12900;
	v3 =	vadd.s32 v1, v3  }
0x156: {  	[tilespmem:s20], [sflag:$0x4] =	stream.indirect_vreg.gather [hbm4b:s5+s3], $0x80, v4, vm0, $0xb8;
	[tilespmem:$0x18100] =	vst v63  }
0x157: {  	s23 =	simm.s32 $0x13100  }
0x158: {  	[tilespmem:s23], [sflag:$0x4] =	stream.indirect_vreg.gather [hbm4b:s6+s3], $0x80, v4, vm0, $0xb8;
	[tilespmem:$0x18100] =	vst v63  }
0x159: {  	s19 =	simm.s32 $0x13900  }
0x15a: {  	[tilespmem:s19], [sflag:$0x4] =	stream.indirect_vreg.gather [hbm4b:s1+s3], $0x80, v3, vm0, $0xb8;
	[tilespmem:$0x18100] =	vst v63  }
0x15b: {  	s20 =	simm.s32 $0x14100  }
0x15c: {  	[tilespmem:s20], [sflag:$0x4] =	stream.indirect_vreg.gather [hbm4b:s5+s3], $0x80, v3, vm0, $0xb8;
	[tilespmem:$0x18100] =	vst v63  }
0x15d: {  	s23 =	simm.s32 $0x14900  }
0x15e: {  	[tilespmem:s23], [sflag:$0x4] =	stream.indirect_vreg.gather [hbm4b:s6+s3], $0x80, v3, vm0, $0xb8;
	[tilespmem:$0x18100] =	vst v63  }
0x15f: {  	v3 =	vld [tilespmem:$0xF0];
	_ =	sdelay $0x4  }
0x160: {  	v63 =	vshrl.u32 v3, $0x3  }
0x161: {  	v4 =	vmul.u32 $0x30, v63  }
0x162: {  	v3 =	vand.u32 $0x7, v3  }
0x163: {  	v3 =	vor.u32 v3, v4  }
0x164: {  	v4 =	vperm.xlane v3, v0;
	_ =	sdelay $0x1  }
0x165: {  	v4 =	vadd.s32 v1, v4;
	_ =	sdelay $0x3  }
0x166: {  	s19 =	simm.s32 $0x15100;
	v3 =	vperm.xlane v3, v2  }
0x167: {  	[tilespmem:s19], [sflag:$0x4] =	stream.indirect_vreg.gather [hbm4b:s1+s3], $0x80, v4, vm0, $0xb8;
	[tilespmem:$0x18100] =	vst v63  }
0x168: {  	s20 =	simm.s32 $0x15900;
	v3 =	vadd.s32 v1, v3  }
0x169: {  	[tilespmem:s20], [sflag:$0x4] =	stream.indirect_vreg.gather [hbm4b:s5+s3], $0x80, v4, vm0, $0xb8;
	[tilespmem:$0x18100] =	vst v63  }
0x16a: {  	s23 =	simm.s32 $0x16100  }
0x16b: {  	[tilespmem:s23], [sflag:$0x4] =	stream.indirect_vreg.gather [hbm4b:s6+s3], $0x80, v4, vm0, $0xb8;
	[tilespmem:$0x18100] =	vst v63  }
0x16c: {  	s19 =	simm.s32 $0x16900  }
0x16d: {  	[tilespmem:s19], [sflag:$0x4] =	stream.indirect_vreg.gather [hbm4b:s1+s3], $0x80, v3, vm0, $0xb8;
	[tilespmem:$0x18100] =	vst v63  }
0x16e: {  	s20 =	simm.s32 $0x17100  }
0x16f: {  	[tilespmem:s20], [sflag:$0x4] =	stream.indirect_vreg.gather [hbm4b:s5+s3], $0x80, v3, vm0, $0xb8;
	[tilespmem:$0x18100] =	vst v63  }
0x170: {  	s23 =	simm.s32 $0x17900  }
0x171: {  	[tilespmem:s23], [sflag:$0x4] =	stream.indirect_vreg.gather [hbm4b:s6+s3], $0x80, v3, vm0, $0xb8;
	[tilespmem:$0x18100] =	vst v63  }
0x172: {  	_ =	swait.ge [sflag:s2], $0x6000  }
0x173: {  	[sflag:s2] =	ssyncset.done $0x0  }
0x174: {  	s14 =	rddreg [dreg:$0x9];
	[sflag:s2] =	ssyncadd.s32 $0xFFFFA000  }
0x175: {  	[hbm4b:s14+s3] =	stream.linear.scatter [tilespmem:s11], [sflag:$0x6], $0x6000, $0x38;
	[tilespmem:$0x18100] =	vst v63  }
0x176: {  	_ =	swait.ge [sflag:s9], $0x6000  }
0x177: {  	[sflag:s9] =	ssyncset.done $0x0  }
0x178: {  	s20 =	rddreg [dreg:$0xa];
	[sflag:s9] =	ssyncadd.s32 $0xFFFFA000  }
0x179: {  	[hbm4b:s20+s3] =	stream.linear.scatter [tilespmem:s18], [sflag:$0x7], $0x6000, $0x38;
	[tilespmem:$0x18100] =	vst v63  }
0x17a: {  	_ =	swait.ge [sflag:s12], $0x6000  }
0x17b: {  	[sflag:s12] =	ssyncset.done $0x0  }
0x17c: {  	s23 =	rddreg [dreg:$0xb];
	[sflag:s12] =	ssyncadd.s32 $0xFFFFA000  }
0x17d: {  	[hbm4b:s23+s3] =	stream.linear.scatter [tilespmem:s8], [sflag:$0x8], $0x6000, $0x38;
	[tilespmem:$0x18100] =	vst v63  }
0x17e: {  	_ =	swait.ge [sflag:s4], $0x6000  }
0x17f: {  	[sflag:s4] =	ssyncset.done $0x0  }
0x180: {  	[sflag:s4] =	ssyncadd.s32 $0xFFFFA000  }
0x181: {  	_ =	swait.ge [sflag:s10], $0x6000  }
0x182: {  	[sflag:s10] =	ssyncset.done $0x0  }
0x183: {  	[sflag:s10] =	ssyncadd.s32 $0xFFFFA000  }
0x184: {  	p0 =	sne.s32 s7, $0x1;
	_ =	swait.ge [sflag:s13], $0x6000  }
.Ltmp0:
0x185: {  	[sflag:s13] =	ssyncset.done $0x0;
	(pc) =	sbr.rel @p0 .LBB2_1-.Ltmp0, $4  }
0x186: {  	[sflag:s13] =	ssyncadd.s32 $0xFFFFA000  }
0x187: {  	_ =	swait.ge [sflag:s0], $0x6000  }
0x188: {  	[sflag:s0] =	ssyncset.done $0x0  }
0x189: {  	s7 =	sadd.s32 $0xFFFFFFFF, s7;
	[sflag:s0] =	ssyncadd.s32 $0xFFFFA000  }
0x18a: {  	_ =	sfence.sel $0x180000  }
0x18b: {  	[bflag:$0x0] =	sbarrier.arrive $0xFFFF  }
0x18c: {  	_ =	strace $0x90000047  }
0x18d: {  	s0 =	stileid.u32;
	[bflag:$0x2] =	sbarrier.arrive $0xFFFF  }
0x18e: {  	p0 =	sne.s32 s0, $0x0;
	s0 =	rddreg [dreg:$0x3]  }
0x18f: {  	s0 =	sadd.s32 @!p0 $0x100000, s0  }
0x190: {  	[sflag:s0] =	ssyncadd.tile.s32 @!p0 $0x1;
	_ =	shalt  }
.Lfunc_end2:
_tile_overlayer_lowered:
.L_overlay_start_2:
0x191: {  	(tag) =	ssettag $0x2  }
0x192: {  	s0 =	rddreg [dreg:$0x0];
	s2 =	stileid.u32  }
0x193: {  	s1 =	rddreg [dreg:$0x1];
	p0 =	sne.s32 s2, $0x0  }
0x194: {  	s3 =	rddreg [dreg:$0x2];
	[bflag:$0x3] =	sbarrier.arrive $0xFFFF;
	s2 =	simm.s32 @!p0 $0x1C09  }
0x195: {  	[timem:s3], [sflag:s2] =	dma.local @!p0 [hbm:s0], s1  }
0x196: {  	s0 =	simm.s32 @!p0 $0x9  }
0x197: {  	_ =	swait.ge @!p0 [sflag:s0], s1  }
0x198: {  	s1 =	ssub.s32 @!p0 $0x0, s1;
	[sflag:s0] =	ssyncset.done @!p0 $0x0  }
0x199: {  	[sflag:s0] =	ssyncadd.s32 @!p0 s1  }
0x19a: {  	[bflag:$0x3] =	sbarrier.arrive $0xFFFF  }
0x19b: {  	_ =	shalt  }

</sc_bundles>
